<compile_context>
chip_gen: v7x
topology: tpu7x:2x2x1
jax: 0.10.2.dev20260603
libtpu: 0.0.44.dev20260713+nightly
codegen_flags: <defaults>
</compile_context>

<pallas_src>
import functools

import jax
import jax.numpy as jnp
from jax import lax
from jax.experimental import pallas as pl
from jax.experimental.pallas import tpu as pltpu
from jax.experimental.pallas import tpu_sc as plsc

N = 100000
E = 3200000
H = 8

NC = 2
NS = 16
NW = NC * NS

NT = 6272
NP = NS * NT
NP8 = NP * H
NT8 = NT * H

EG = 2048
G = 50
ET = G * EG
EP = NW * ET


def _f32(x):
    return jnp.asarray(x, jnp.float32)


def _tc_gru_xw_body(xT_ref, w0T_ref, wih_ref, whh_ref, bih_ref, bhh_ref,
                    out_ref):
    w0T = w0T_ref[:]
    giT = jnp.dot(wih_ref[:], w0T, preferred_element_type=jnp.float32) + bih_ref[:]
    ghT = jnp.dot(whh_ref[:], w0T, preferred_element_type=jnp.float32) + bhh_ref[:]
    rT = jax.nn.sigmoid(giT[0:8] + ghT[0:8])
    zT = jax.nn.sigmoid(giT[8:16] + ghT[8:16])
    nT = jnp.tanh(giT[16:24] + rT * ghT[16:24])
    wT = (1.0 - zT) * nT + zT * w0T
    out_ref[:] = jnp.dot(wT, xT_ref[:], preferred_element_type=jnp.float32)


def _tc_gru_xw(xT, w0T, wih, whh, bihc, bhhc):
    return pl.pallas_call(
        _tc_gru_xw_body,
        out_shape=jax.ShapeDtypeStruct((H, NP), jnp.float32),
    )(xT, w0T, wih, whh, bihc, bhhc)


def _tc_dinv_y_body(d0_ref, d1_ref, xwT_ref, y_ref, dinv_ref):
    dinv = lax.rsqrt(d0_ref[:] + d1_ref[:] + 1.0)
    dinv_ref[:] = dinv
    y_ref[:] = dinv * xwT_ref[:]


def _tc_dinv_y(d0, d1, xwT):
    return pl.pallas_call(
        _tc_dinv_y_body,
        out_shape=[jax.ShapeDtypeStruct((H, NP), jnp.float32),
                   jax.ShapeDtypeStruct((1, NP), jnp.float32)],
    )(d0, d1, xwT)


def _tc_head_body(s0_ref, s1_ref, dinv_ref, bg_ref, wl_ref, bl_ref, out_ref):
    h = dinv_ref[:] * (s0_ref[:] + s1_ref[:]) + bg_ref[:]
    h = jnp.maximum(h, 0.0)
    out_ref[:] = jnp.sum(h * wl_ref[:], axis=0, keepdims=True) + bl_ref[:]


def _tc_head(s0T, s1T, dinv, bg, wl, bl):
    return pl.pallas_call(
        _tc_head_body,
        out_shape=jax.ShapeDtypeStruct((1, NP), jnp.float32),
    )(s0T, s1T, dinv, bg, wl, bl)


def _sc_deg_body(col_hbm, ew_hbm, deg_out, deg_sp, colb, ewb, colb2, ewb2,
                 zb, sem):
    c = lax.axis_index("c")
    s = lax.axis_index("s")
    wid = c * NS + s

    def zloop(v, _):
        zb[pl.ds(v * 16, 16)] = jnp.zeros((16,), jnp.float32)
        return 0
    lax.fori_loop(0, NT // 16, zloop, 0)
    pltpu.sync_copy(zb, deg_sp.at[pl.ds(s * NT, NT)])
    plsc.subcore_barrier()

    def gloop(g2, _):
        ba = wid * ET + (2 * g2) * EG
        bb = ba + EG
        pltpu.sync_copy(col_hbm.at[pl.ds(ba, EG)], colb)
        pltpu.sync_copy(ew_hbm.at[pl.ds(ba, EG)], ewb)
        da = pltpu.async_copy(ewb, deg_sp.at[colb], sem, add=True)
        pltpu.sync_copy(col_hbm.at[pl.ds(bb, EG)], colb2)
        pltpu.sync_copy(ew_hbm.at[pl.ds(bb, EG)], ewb2)
        db = pltpu.async_copy(ewb2, deg_sp.at[colb2], sem, add=True)
        da.wait()
        db.wait()
        return 0
    lax.fori_loop(0, G // 2, gloop, 0)
    plsc.subcore_barrier()
    pltpu.sync_copy(deg_sp.at[pl.ds(s * NT, NT)],
                    deg_out.at[pl.ds(c * NP + s * NT, NT)])


def _sc_edges_body(row_hbm, col_hbm, ew_hbm, y_in,
                   s_out, s_sp,
                   ybuf, rowb0, colb0, ewb0, msgb0, rowb1, colb1, ewb1,
                   msgb1, gsem0, gsem1, ssem0, ssem1):
    c = lax.axis_index("c")
    s = lax.axis_index("s")
    wid = c * NS + s
    nb8 = s * NT8

    rowb = (rowb0, rowb1)
    colb = (colb0, colb1)
    ewb = (ewb0, ewb1)
    msgb = (msgb0, msgb1)
    gsem = (gsem0, gsem1)
    ssem = (ssem0, ssem1)

    NQ = NT8 // 4
    for q in range(4):
        pltpu.sync_copy(y_in.at[pl.ds(nb8 + q * NQ, NQ)], ybuf)

        def hloop(v, _):
            ybuf[pl.ds(v * 16, 16)] = ybuf[pl.ds(v * 16, 16)] * 0.5
            return 0
        lax.fori_loop(0, NQ // 16, hloop, 0)
        pltpu.sync_copy(ybuf, s_sp.at[pl.ds(nb8 + q * NQ, NQ)])
    plsc.subcore_barrier()

    def load_edges(g, p):
        base = wid * ET + g * EG
        pltpu.sync_copy(row_hbm.at[pl.ds(base, EG)], rowb[p])
        pltpu.sync_copy(col_hbm.at[pl.ds(base, EG)], colb[p])
        pltpu.sync_copy(ew_hbm.at[pl.ds(base, EG)], ewb[p])

    def fire_gathers(p):
        return [pltpu.async_copy(
            y_in.at[pl.ds(k * NP, NP)].at[rowb[p]],
            msgb[p].at[pl.ds(k * EG, EG)], gsem[p]) for k in range(H)]

    def scale(p):
        def mloop(v, _):
            ev = ewb[p][pl.ds(v * 16, 16)]
            for k in range(H):
                o = k * EG + v * 16
                msgb[p][pl.ds(o, 16)] = msgb[p][pl.ds(o, 16)] * ev
            return 0
        lax.fori_loop(0, EG // 16, mloop, 0)

    def fire_scatters(p):
        return [pltpu.async_copy(
            msgb[p].at[pl.ds(k * EG, EG)],
            s_sp.at[pl.ds(k * NP, NP)].at[colb[p]], ssem[p], add=True)
            for k in range(H)]

    def drain(ds_):
        for d in ds_:
            d.wait()

    def gloop(g2, _):
        ga = 2 * g2
        gb = ga + 1
        load_edges(ga, 0)
        gda = fire_gathers(0)
        load_edges(gb, 1)
        gdb = fire_gathers(1)
        drain(gda)
        scale(0)
        sda = fire_scatters(0)
        drain(gdb)
        scale(1)
        sdb = fire_scatters(1)
        drain(sda)
        drain(sdb)
        return 0
    lax.fori_loop(0, G // 2, gloop, 0)
    plsc.subcore_barrier()

    pltpu.sync_copy(s_sp.at[pl.ds(nb8, NT8)],
                    s_out.at[pl.ds(c * NP8 + nb8, NT8)])


@functools.lru_cache(maxsize=1)
def _build_sc_kernels():
    mesh = plsc.VectorSubcoreMesh(core_axis_name="c", subcore_axis_name="s",
                                  num_cores=NC, num_subcores=NS)
    sc_deg = pl.kernel(
        _sc_deg_body,
        out_type=jax.ShapeDtypeStruct((NC * NP,), jnp.float32),
        mesh=mesh,
        scratch_types=[
            pltpu.VMEM_SHARED((NP,), jnp.float32),
            pltpu.VMEM((EG,), jnp.int32),
            pltpu.VMEM((EG,), jnp.float32),
            pltpu.VMEM((EG,), jnp.int32),
            pltpu.VMEM((EG,), jnp.float32),
            pltpu.VMEM((NT,), jnp.float32),
            pltpu.SemaphoreType.DMA,
        ],
    )
    sc_edges = pl.kernel(
        _sc_edges_body,
        out_type=jax.ShapeDtypeStruct((NC * NP8,), jnp.float32),
        mesh=mesh,
        scratch_types=[
            pltpu.VMEM_SHARED((NP8,), jnp.float32),
            pltpu.VMEM((NT8 // 4,), jnp.float32),
            pltpu.VMEM((EG,), jnp.int32),
            pltpu.VMEM((EG,), jnp.int32),
            pltpu.VMEM((EG,), jnp.float32),
            pltpu.VMEM((H * EG,), jnp.float32),
            pltpu.VMEM((EG,), jnp.int32),
            pltpu.VMEM((EG,), jnp.int32),
            pltpu.VMEM((EG,), jnp.float32),
            pltpu.VMEM((H * EG,), jnp.float32),
            pltpu.SemaphoreType.DMA,
            pltpu.SemaphoreType.DMA,
            pltpu.SemaphoreType.DMA,
            pltpu.SemaphoreType.DMA,
        ],
    )
    return sc_deg, sc_edges


def kernel(x, edge_index, edge_weight, W0, W_ih, W_hh, b_ih, b_hh, b_gcn,
           W_lin, b_lin):
    x = _f32(x)
    ew = _f32(edge_weight)
    row = edge_index[0].astype(jnp.int32)
    col = edge_index[1].astype(jnp.int32)

    xT = jnp.pad(x, ((0, NP - N), (0, 0))).T
    pad = EP - E
    padn = (jnp.arange(pad, dtype=jnp.int32) * 131) % N
    rowp = jnp.concatenate([row, padn])
    colp = jnp.concatenate([col, padn])
    ewp = jnp.concatenate([ew, jnp.zeros((pad,), jnp.float32)])

    xwT = _tc_gru_xw(xT, _f32(W0).T, _f32(W_ih), _f32(W_hh),
                     _f32(b_ih).reshape(24, 1), _f32(b_hh).reshape(24, 1))

    sc_deg, sc_edges = _build_sc_kernels()
    degp = sc_deg(colp, ewp)

    yT, dinv = _tc_dinv_y(degp[:NP].reshape(1, NP), degp[NP:].reshape(1, NP),
                          xwT)

    ybig = jnp.concatenate([yT.reshape(NP8),
                            jnp.zeros((NP8,), jnp.float32)])
    sT = sc_edges(rowp, colp, ewp, ybig)

    out1 = _tc_head(sT[:NP8].reshape(H, NP), sT[NP8:].reshape(H, NP), dinv,
                    _f32(b_gcn).reshape(H, 1), _f32(W_lin).reshape(H, 1),
                    _f32(b_lin).reshape(1, 1))
    return out1.reshape(NP)[:N].reshape(N, 1)

# --- scband reference (transcript-rebuilt; emitter-appended) ---
"""Pipeline reference for scband-evolve-gcno-recurrent-gcn-16192026706534 (READ-ONLY COPY).

The authoritative reference and input builder live on the scoring server;
editing this copy changes nothing except your own understanding.
"""

import jax, jax.numpy as jnp
import numpy as np

N = 100000
E = 3200000
H = 8


def setup_inputs(seed: int = 0) -> dict:
    key = jax.random.key(seed)
    ks = jax.random.split(key, 12)
    x = jax.random.normal(ks[0], (N, H), dtype=jnp.float32)
    edge_index = jax.random.randint(ks[1], (2, E), 0, N, dtype=jnp.int32)
    edge_weight = jax.random.uniform(ks[2], (E,), dtype=jnp.float32)
    s = 1.0 / np.sqrt(H)
    W0 = jax.random.uniform(ks[3], (H, H), minval=-s, maxval=s, dtype=jnp.float32)
    W_ih = jax.random.uniform(ks[4], (3 * H, H), minval=-s, maxval=s, dtype=jnp.float32)
    W_hh = jax.random.uniform(ks[5], (3 * H, H), minval=-s, maxval=s, dtype=jnp.float32)
    b_ih = jax.random.uniform(ks[6], (3 * H,), minval=-s, maxval=s, dtype=jnp.float32)
    b_hh = jax.random.uniform(ks[7], (3 * H,), minval=-s, maxval=s, dtype=jnp.float32)
    b_gcn = jnp.zeros((H,), dtype=jnp.float32)
    W_lin = jax.random.uniform(ks[8], (1, H), minval=-s, maxval=s, dtype=jnp.float32)
    b_lin = jax.random.uniform(ks[9], (1,), minval=-s, maxval=s, dtype=jnp.float32)
    return {"x": x, "edge_index": edge_index, "edge_weight": edge_weight,
            "W0": W0, "W_ih": W_ih, "W_hh": W_hh, "b_ih": b_ih, "b_hh": b_hh,
            "b_gcn": b_gcn, "W_lin": W_lin, "b_lin": b_lin}


def reference(x, edge_index, edge_weight, W0, W_ih, W_hh, b_ih, b_hh, b_gcn, W_lin, b_lin):
    # --- EvolveGCNO: evolve the GCN weight with one GRU step (input = hidden = W0) ---
    gi = W0 @ W_ih.T + b_ih
    gh = W0 @ W_hh.T + b_hh
    i_r, i_z, i_n = jnp.split(gi, 3, axis=1)
    h_r, h_z, h_n = jnp.split(gh, 3, axis=1)
    r = jax.nn.sigmoid(i_r + h_r)
    z = jax.nn.sigmoid(i_z + h_z)
    n = jnp.tanh(i_n + r * h_n)
    W = (1.0 - z) * n + z * W0
    # --- GCNConv_Fixed_W: gcn_norm with self loops, then propagate ---
    loop = jnp.arange(N, dtype=edge_index.dtype)
    row = jnp.concatenate([edge_index[0], loop])
    col = jnp.concatenate([edge_index[1], loop])
    ew = jnp.concatenate([edge_weight, jnp.ones((N,), dtype=edge_weight.dtype)])
    deg = jnp.zeros((N,), dtype=x.dtype).at[col].add(ew)
    dinv = jnp.where(deg > 0, jax.lax.rsqrt(jnp.where(deg > 0, deg, 1.0)), 0.0)
    norm = dinv[row] * ew * dinv[col]
    xw = x @ W
    msg = xw[row] * norm[:, None]
    h = jnp.zeros((N, H), dtype=x.dtype).at[col].add(msg) + b_gcn
    # --- relu + linear head ---
    h = jax.nn.relu(h)
    return h @ W_lin.T + b_lin

if __name__ == "__main__":
    import jax
    _d = setup_inputs()
    print(jax.jit(kernel)(*tuple(_d.values())))

</pallas_src>

<mosaic_0001>
#map = affine_map<(d0, d1) -> (0)>
module attributes {stable_mosaic.version = 14 : i64} {
  func.func @_sc_edges_body(%arg0: i32, %arg1: i32, %arg2: memref<3276800xi32, #tpu.memory_space<hbm>>, %arg3: memref<3276800xi32, #tpu.memory_space<hbm>>, %arg4: memref<3276800xf32, #tpu.memory_space<hbm>>, %arg5: memref<1605632xf32, #tpu.memory_space<hbm>>, %arg6: memref<1605632xf32, #tpu.memory_space<hbm>>, %arg7: memref<802816xf32, #tpu.memory_space<vmem_shared>>, %arg8: memref<12544xf32, #tpu.memory_space<vmem>>, %arg9: memref<2048xi32, #tpu.memory_space<vmem>>, %arg10: memref<2048xi32, #tpu.memory_space<vmem>>, %arg11: memref<2048xf32, #tpu.memory_space<vmem>>, %arg12: memref<16384xf32, #tpu.memory_space<vmem>>, %arg13: memref<2048xi32, #tpu.memory_space<vmem>>, %arg14: memref<2048xi32, #tpu.memory_space<vmem>>, %arg15: memref<2048xf32, #tpu.memory_space<vmem>>, %arg16: memref<16384xf32, #tpu.memory_space<vmem>>, %arg17: memref<!tpu.dma_semaphore, #tpu.memory_space<semaphore_mem>>, %arg18: memref<!tpu.dma_semaphore, #tpu.memory_space<semaphore_mem>>, %arg19: memref<!tpu.dma_semaphore, #tpu.memory_space<semaphore_mem>>, %arg20: memref<!tpu.dma_semaphore, #tpu.memory_space<semaphore_mem>>) attributes {dimension_semantics = [#tpu.dimension_semantics<core_parallel>, #tpu.dimension_semantics<subcore_parallel>], iteration_bounds = array<i64: 2, 16>, scalar_prefetch = 0 : i64, scratch_operands = 14 : i64, tpu.core_type = #tpu.core_type<sc_vector_subcore>, window_params = [{transform_indices = #map}, {transform_indices = #map}, {transform_indices = #map}, {transform_indices = #map}, {transform_indices = #map}]} {
    %mul3A = arith.constant 16 : i32
    %mul3A_0 = arith.muli %arg0, %mul3A : i32
    %add3A = arith.addi %mul3A_0, %arg1 : i32
    %mul3A_1 = arith.constant 50176 : i32
    %mul3A_2 = arith.muli %arg1, %mul3A_1 : i32
    %add3A_3 = arith.constant 0 : i32
    %add3A_4 = arith.addi %mul3A_2, %add3A_3 : i32
    "tpu.region"() ({
      %run_scoped3A = tpu.sem_alloc : memref<!tpu.dma_semaphore, #tpu.memory_space<semaphore_mem>>
      %dma_start3A = tpu.memref_slice %arg5[%add3A_4] : memref<1605632xf32, #tpu.memory_space<hbm>> -> memref<12544xf32, #tpu.memory_space<hbm>>
      %dma_start3A_57 = tpu.memref_slice %arg5[%add3A_4] : memref<1605632xf32, #tpu.memory_space<hbm>> -> memref<12544xf32, #tpu.memory_space<hbm>>
      tpu.enqueue_dma source(%dma_start3A_57 : memref<12544xf32, #tpu.memory_space<hbm>>) target(%arg8 : memref<12544xf32, #tpu.memory_space<vmem>>) target_semaphore(%run_scoped3A : memref<!tpu.dma_semaphore, #tpu.memory_space<semaphore_mem>>)
      %dma_wait3A = tpu.memref_slice %arg5[%add3A_4] : memref<1605632xf32, #tpu.memory_space<hbm>> -> memref<12544xf32, #tpu.memory_space<hbm>>
      %dma_wait3A_58 = tpu.memref_slice %arg5[%add3A_4] : memref<1605632xf32, #tpu.memory_space<hbm>> -> memref<12544xf32, #tpu.memory_space<hbm>>
      tpu.wait_dma2 semaphore(%run_scoped3A : memref<!tpu.dma_semaphore, #tpu.memory_space<semaphore_mem>>) src(%dma_wait3A_58 : memref<12544xf32, #tpu.memory_space<hbm>>) dst(%arg8 : memref<12544xf32, #tpu.memory_space<vmem>>)
      tpu.yield
    }) : () -> ()
    %scan3A = arith.constant 0 : i32
    %scan3A_5 = arith.constant 0 : i32
    %scan3A_6 = arith.constant 784 : i32
    %scan3A_7 = arith.addi %scan3A_5, %scan3A_6 : i32
    %scan3A_8 = arith.constant 1 : i32
    %scan3A_9 = scf.for %scan3A_57 = %scan3A_5 to %scan3A_7 step %scan3A_8 iter_args(%scan3A_58 = %scan3A) -> (i32)  : i32 {
      %mul3A_59 = arith.constant 16 : i32
      %mul3A_60 = arith.muli %scan3A_57, %mul3A_59 : i32
      %get3A = arith.index_cast %mul3A_60 : i32 to index
      %get3A_61 = tpu.vector_load %arg8[%get3A] {strides = array<i32>} : memref<12544xf32, #tpu.memory_space<vmem>>, vector<16xf32>,
      %get3A_62 = vector.shape_cast %get3A_61 : vector<16xf32> to vector<16xf32>
      %mul3A_63 = arith.constant 5.000000e-01 : f32
      %mul3A_64 = vector.broadcast %mul3A_63 : f32 to vector<16xf32>
      %mul3A_65 = arith.mulf %get3A_62, %mul3A_64 : vector<16xf32>
      %mul3A_66 = arith.constant 16 : i32
      %mul3A_67 = arith.muli %scan3A_57, %mul3A_66 : i32
      %swap3A = arith.index_cast %mul3A_67 : i32 to index
      %swap3A_68 = tpu.vector_load %arg8[%swap3A] {strides = array<i32>} : memref<12544xf32, #tpu.memory_space<vmem>>, vector<16xf32>,
      %swap3A_69 = vector.shape_cast %swap3A_68 : vector<16xf32> to vector<16xf32>
      %swap3A_70 = vector.shape_cast %mul3A_65 : vector<16xf32> to vector<16xf32>
      tpu.vector_store %arg8[%swap3A], %swap3A_70 {strides = array<i32>} : memref<12544xf32, #tpu.memory_space<vmem>>, vector<16xf32>,
      %scan3A_71 = arith.constant 0 : i32
      scf.yield %scan3A_71 : i32
    }
    %scan3A_10 = arith.constant 784 : i32
    %add3A_11 = arith.constant 0 : i32
    %add3A_12 = arith.addi %mul3A_2, %add3A_11 : i32
    "tpu.region"() ({
      %run_scoped3A = tpu.sem_alloc : memref<!tpu.dma_semaphore, #tpu.memory_space<semaphore_mem>>
      %dma_start3A = tpu.memref_slice %arg7[%add3A_12] : memref<802816xf32, #tpu.memory_space<vmem_shared>> -> memref<12544xf32, #tpu.memory_space<vmem_shared>>
      %dma_start3A_57 = tpu.memref_slice %arg7[%add3A_12] : memref<802816xf32, #tpu.memory_space<vmem_shared>> -> memref<12544xf32, #tpu.memory_space<vmem_shared>>
      tpu.enqueue_dma source(%arg8 : memref<12544xf32, #tpu.memory_space<vmem>>) target(%dma_start3A_57 : memref<12544xf32, #tpu.memory_space<vmem_shared>>) target_semaphore(%run_scoped3A : memref<!tpu.dma_semaphore, #tpu.memory_space<semaphore_mem>>)
      %dma_wait3A = tpu.memref_slice %arg7[%add3A_12] : memref<802816xf32, #tpu.memory_space<vmem_shared>> -> memref<12544xf32, #tpu.memory_space<vmem_shared>>
      %dma_wait3A_58 = tpu.memref_slice %arg7[%add3A_12] : memref<802816xf32, #tpu.memory_space<vmem_shared>> -> memref<12544xf32, #tpu.memory_space<vmem_shared>>
      tpu.wait_dma2 semaphore(%run_scoped3A : memref<!tpu.dma_semaphore, #tpu.memory_space<semaphore_mem>>) src(%arg8 : memref<12544xf32, #tpu.memory_space<vmem>>) dst(%dma_wait3A_58 : memref<12544xf32, #tpu.memory_space<vmem_shared>>)
      tpu.yield
    }) : () -> ()
    %add3A_13 = arith.constant 12544 : i32
    %add3A_14 = arith.addi %mul3A_2, %add3A_13 : i32
    "tpu.region"() ({
      %run_scoped3A = tpu.sem_alloc : memref<!tpu.dma_semaphore, #tpu.memory_space<semaphore_mem>>
      %dma_start3A = tpu.memref_slice %arg5[%add3A_14] : memref<1605632xf32, #tpu.memory_space<hbm>> -> memref<12544xf32, #tpu.memory_space<hbm>>
      %dma_start3A_57 = tpu.memref_slice %arg5[%add3A_14] : memref<1605632xf32, #tpu.memory_space<hbm>> -> memref<12544xf32, #tpu.memory_space<hbm>>
      tpu.enqueue_dma source(%dma_start3A_57 : memref<12544xf32, #tpu.memory_space<hbm>>) target(%arg8 : memref<12544xf32, #tpu.memory_space<vmem>>) target_semaphore(%run_scoped3A : memref<!tpu.dma_semaphore, #tpu.memory_space<semaphore_mem>>)
      %dma_wait3A = tpu.memref_slice %arg5[%add3A_14] : memref<1605632xf32, #tpu.memory_space<hbm>> -> memref<12544xf32, #tpu.memory_space<hbm>>
      %dma_wait3A_58 = tpu.memref_slice %arg5[%add3A_14] : memref<1605632xf32, #tpu.memory_space<hbm>> -> memref<12544xf32, #tpu.memory_space<hbm>>
      tpu.wait_dma2 semaphore(%run_scoped3A : memref<!tpu.dma_semaphore, #tpu.memory_space<semaphore_mem>>) src(%dma_wait3A_58 : memref<12544xf32, #tpu.memory_space<hbm>>) dst(%arg8 : memref<12544xf32, #tpu.memory_space<vmem>>)
      tpu.yield
    }) : () -> ()
    %scan3A_15 = arith.constant 0 : i32
    %scan3A_16 = arith.constant 0 : i32
    %scan3A_17 = arith.constant 784 : i32
    %scan3A_18 = arith.addi %scan3A_16, %scan3A_17 : i32
    %scan3A_19 = arith.constant 1 : i32
    %scan3A_20 = scf.for %scan3A_57 = %scan3A_16 to %scan3A_18 step %scan3A_19 iter_args(%scan3A_58 = %scan3A_15) -> (i32)  : i32 {
      %mul3A_59 = arith.constant 16 : i32
      %mul3A_60 = arith.muli %scan3A_57, %mul3A_59 : i32
      %get3A = arith.index_cast %mul3A_60 : i32 to index
      %get3A_61 = tpu.vector_load %arg8[%get3A] {strides = array<i32>} : memref<12544xf32, #tpu.memory_space<vmem>>, vector<16xf32>,
      %get3A_62 = vector.shape_cast %get3A_61 : vector<16xf32> to vector<16xf32>
      %mul3A_63 = arith.constant 5.000000e-01 : f32
      %mul3A_64 = vector.broadcast %mul3A_63 : f32 to vector<16xf32>
      %mul3A_65 = arith.mulf %get3A_62, %mul3A_64 : vector<16xf32>
      %mul3A_66 = arith.constant 16 : i32
      %mul3A_67 = arith.muli %scan3A_57, %mul3A_66 : i32
      %swap3A = arith.index_cast %mul3A_67 : i32 to index
      %swap3A_68 = tpu.vector_load %arg8[%swap3A] {strides = array<i32>} : memref<12544xf32, #tpu.memory_space<vmem>>, vector<16xf32>,
      %swap3A_69 = vector.shape_cast %swap3A_68 : vector<16xf32> to vector<16xf32>
      %swap3A_70 = vector.shape_cast %mul3A_65 : vector<16xf32> to vector<16xf32>
      tpu.vector_store %arg8[%swap3A], %swap3A_70 {strides = array<i32>} : memref<12544xf32, #tpu.memory_space<vmem>>, vector<16xf32>,
      %scan3A_71 = arith.constant 0 : i32
      scf.yield %scan3A_71 : i32
    }
    %scan3A_21 = arith.constant 784 : i32
    %add3A_22 = arith.constant 12544 : i32
    %add3A_23 = arith.addi %mul3A_2, %add3A_22 : i32
    "tpu.region"() ({
      %run_scoped3A = tpu.sem_alloc : memref<!tpu.dma_semaphore, #tpu.memory_space<semaphore_mem>>
      %dma_start3A = tpu.memref_slice %arg7[%add3A_23] : memref<802816xf32, #tpu.memory_space<vmem_shared>> -> memref<12544xf32, #tpu.memory_space<vmem_shared>>
      %dma_start3A_57 = tpu.memref_slice %arg7[%add3A_23] : memref<802816xf32, #tpu.memory_space<vmem_shared>> -> memref<12544xf32, #tpu.memory_space<vmem_shared>>
      tpu.enqueue_dma source(%arg8 : memref<12544xf32, #tpu.memory_space<vmem>>) target(%dma_start3A_57 : memref<12544xf32, #tpu.memory_space<vmem_shared>>) target_semaphore(%run_scoped3A : memref<!tpu.dma_semaphore, #tpu.memory_space<semaphore_mem>>)
      %dma_wait3A = tpu.memref_slice %arg7[%add3A_23] : memref<802816xf32, #tpu.memory_space<vmem_shared>> -> memref<12544xf32, #tpu.memory_space<vmem_shared>>
      %dma_wait3A_58 = tpu.memref_slice %arg7[%add3A_23] : memref<802816xf32, #tpu.memory_space<vmem_shared>> -> memref<12544xf32, #tpu.memory_space<vmem_shared>>
      tpu.wait_dma2 semaphore(%run_scoped3A : memref<!tpu.dma_semaphore, #tpu.memory_space<semaphore_mem>>) src(%arg8 : memref<12544xf32, #tpu.memory_space<vmem>>) dst(%dma_wait3A_58 : memref<12544xf32, #tpu.memory_space<vmem_shared>>)
      tpu.yield
    }) : () -> ()
    %add3A_24 = arith.constant 25088 : i32
    %add3A_25 = arith.addi %mul3A_2, %add3A_24 : i32
    "tpu.region"() ({
      %run_scoped3A = tpu.sem_alloc : memref<!tpu.dma_semaphore, #tpu.memory_space<semaphore_mem>>
      %dma_start3A = tpu.memref_slice %arg5[%add3A_25] : memref<1605632xf32, #tpu.memory_space<hbm>> -> memref<12544xf32, #tpu.memory_space<hbm>>
      %dma_start3A_57 = tpu.memref_slice %arg5[%add3A_25] : memref<1605632xf32, #tpu.memory_space<hbm>> -> memref<12544xf32, #tpu.memory_space<hbm>>
      tpu.enqueue_dma source(%dma_start3A_57 : memref<12544xf32, #tpu.memory_space<hbm>>) target(%arg8 : memref<12544xf32, #tpu.memory_space<vmem>>) target_semaphore(%run_scoped3A : memref<!tpu.dma_semaphore, #tpu.memory_space<semaphore_mem>>)
      %dma_wait3A = tpu.memref_slice %arg5[%add3A_25] : memref<1605632xf32, #tpu.memory_space<hbm>> -> memref<12544xf32, #tpu.memory_space<hbm>>
      %dma_wait3A_58 = tpu.memref_slice %arg5[%add3A_25] : memref<1605632xf32, #tpu.memory_space<hbm>> -> memref<12544xf32, #tpu.memory_space<hbm>>
      tpu.wait_dma2 semaphore(%run_scoped3A : memref<!tpu.dma_semaphore, #tpu.memory_space<semaphore_mem>>) src(%dma_wait3A_58 : memref<12544xf32, #tpu.memory_space<hbm>>) dst(%arg8 : memref<12544xf32, #tpu.memory_space<vmem>>)
      tpu.yield
    }) : () -> ()
    %scan3A_26 = arith.constant 0 : i32
    %scan3A_27 = arith.constant 0 : i32
    %scan3A_28 = arith.constant 784 : i32
    %scan3A_29 = arith.addi %scan3A_27, %scan3A_28 : i32
    %scan3A_30 = arith.constant 1 : i32
    %scan3A_31 = scf.for %scan3A_57 = %scan3A_27 to %scan3A_29 step %scan3A_30 iter_args(%scan3A_58 = %scan3A_26) -> (i32)  : i32 {
      %mul3A_59 = arith.constant 16 : i32
      %mul3A_60 = arith.muli %scan3A_57, %mul3A_59 : i32
      %get3A = arith.index_cast %mul3A_60 : i32 to index
      %get3A_61 = tpu.vector_load %arg8[%get3A] {strides = array<i32>} : memref<12544xf32, #tpu.memory_space<vmem>>, vector<16xf32>,
      %get3A_62 = vector.shape_cast %get3A_61 : vector<16xf32> to vector<16xf32>
      %mul3A_63 = arith.constant 5.000000e-01 : f32
      %mul3A_64 = vector.broadcast %mul3A_63 : f32 to vector<16xf32>
      %mul3A_65 = arith.mulf %get3A_62, %mul3A_64 : vector<16xf32>
      %mul3A_66 = arith.constant 16 : i32
      %mul3A_67 = arith.muli %scan3A_57, %mul3A_66 : i32
      %swap3A = arith.index_cast %mul3A_67 : i32 to index
      %swap3A_68 = tpu.vector_load %arg8[%swap3A] {strides = array<i32>} : memref<12544xf32, #tpu.memory_space<vmem>>, vector<16xf32>,
      %swap3A_69 = vector.shape_cast %swap3A_68 : vector<16xf32> to vector<16xf32>
      %swap3A_70 = vector.shape_cast %mul3A_65 : vector<16xf32> to vector<16xf32>
      tpu.vector_store %arg8[%swap3A], %swap3A_70 {strides = array<i32>} : memref<12544xf32, #tpu.memory_space<vmem>>, vector<16xf32>,
      %scan3A_71 = arith.constant 0 : i32
      scf.yield %scan3A_71 : i32
    }
    %scan3A_32 = arith.constant 784 : i32
    %add3A_33 = arith.constant 25088 : i32
    %add3A_34 = arith.addi %mul3A_2, %add3A_33 : i32
    "tpu.region"() ({
      %run_scoped3A = tpu.sem_alloc : memref<!tpu.dma_semaphore, #tpu.memory_space<semaphore_mem>>
      %dma_start3A = tpu.memref_slice %arg7[%add3A_34] : memref<802816xf32, #tpu.memory_space<vmem_shared>> -> memref<12544xf32, #tpu.memory_space<vmem_shared>>
      %dma_start3A_57 = tpu.memref_slice %arg7[%add3A_34] : memref<802816xf32, #tpu.memory_space<vmem_shared>> -> memref<12544xf32, #tpu.memory_space<vmem_shared>>
      tpu.enqueue_dma source(%arg8 : memref<12544xf32, #tpu.memory_space<vmem>>) target(%dma_start3A_57 : memref<12544xf32, #tpu.memory_space<vmem_shared>>) target_semaphore(%run_scoped3A : memref<!tpu.dma_semaphore, #tpu.memory_space<semaphore_mem>>)
      %dma_wait3A = tpu.memref_slice %arg7[%add3A_34] : memref<802816xf32, #tpu.memory_space<vmem_shared>> -> memref<12544xf32, #tpu.memory_space<vmem_shared>>
      %dma_wait3A_58 = tpu.memref_slice %arg7[%add3A_34] : memref<802816xf32, #tpu.memory_space<vmem_shared>> -> memref<12544xf32, #tpu.memory_space<vmem_shared>>
      tpu.wait_dma2 semaphore(%run_scoped3A : memref<!tpu.dma_semaphore, #tpu.memory_space<semaphore_mem>>) src(%arg8 : memref<12544xf32, #tpu.memory_space<vmem>>) dst(%dma_wait3A_58 : memref<12544xf32, #tpu.memory_space<vmem_shared>>)
      tpu.yield
    }) : () -> ()
    %add3A_35 = arith.constant 37632 : i32
    %add3A_36 = arith.addi %mul3A_2, %add3A_35 : i32
    "tpu.region"() ({
      %run_scoped3A = tpu.sem_alloc : memref<!tpu.dma_semaphore, #tpu.memory_space<semaphore_mem>>
      %dma_start3A = tpu.memref_slice %arg5[%add3A_36] : memref<1605632xf32, #tpu.memory_space<hbm>> -> memref<12544xf32, #tpu.memory_space<hbm>>
      %dma_start3A_57 = tpu.memref_slice %arg5[%add3A_36] : memref<1605632xf32, #tpu.memory_space<hbm>> -> memref<12544xf32, #tpu.memory_space<hbm>>
      tpu.enqueue_dma source(%dma_start3A_57 : memref<12544xf32, #tpu.memory_space<hbm>>) target(%arg8 : memref<12544xf32, #tpu.memory_space<vmem>>) target_semaphore(%run_scoped3A : memref<!tpu.dma_semaphore, #tpu.memory_space<semaphore_mem>>)
      %dma_wait3A = tpu.memref_slice %arg5[%add3A_36] : memref<1605632xf32, #tpu.memory_space<hbm>> -> memref<12544xf32, #tpu.memory_space<hbm>>
      %dma_wait3A_58 = tpu.memref_slice %arg5[%add3A_36] : memref<1605632xf32, #tpu.memory_space<hbm>> -> memref<12544xf32, #tpu.memory_space<hbm>>
      tpu.wait_dma2 semaphore(%run_scoped3A : memref<!tpu.dma_semaphore, #tpu.memory_space<semaphore_mem>>) src(%dma_wait3A_58 : memref<12544xf32, #tpu.memory_space<hbm>>) dst(%arg8 : memref<12544xf32, #tpu.memory_space<vmem>>)
      tpu.yield
    }) : () -> ()
    %scan3A_37 = arith.constant 0 : i32
    %scan3A_38 = arith.constant 0 : i32
    %scan3A_39 = arith.constant 784 : i32
    %scan3A_40 = arith.addi %scan3A_38, %scan3A_39 : i32
    %scan3A_41 = arith.constant 1 : i32
    %scan3A_42 = scf.for %scan3A_57 = %scan3A_38 to %scan3A_40 step %scan3A_41 iter_args(%scan3A_58 = %scan3A_37) -> (i32)  : i32 {
      %mul3A_59 = arith.constant 16 : i32
      %mul3A_60 = arith.muli %scan3A_57, %mul3A_59 : i32
      %get3A = arith.index_cast %mul3A_60 : i32 to index
      %get3A_61 = tpu.vector_load %arg8[%get3A] {strides = array<i32>} : memref<12544xf32, #tpu.memory_space<vmem>>, vector<16xf32>,
      %get3A_62 = vector.shape_cast %get3A_61 : vector<16xf32> to vector<16xf32>
      %mul3A_63 = arith.constant 5.000000e-01 : f32
      %mul3A_64 = vector.broadcast %mul3A_63 : f32 to vector<16xf32>
      %mul3A_65 = arith.mulf %get3A_62, %mul3A_64 : vector<16xf32>
      %mul3A_66 = arith.constant 16 : i32
      %mul3A_67 = arith.muli %scan3A_57, %mul3A_66 : i32
      %swap3A = arith.index_cast %mul3A_67 : i32 to index
      %swap3A_68 = tpu.vector_load %arg8[%swap3A] {strides = array<i32>} : memref<12544xf32, #tpu.memory_space<vmem>>, vector<16xf32>,
      %swap3A_69 = vector.shape_cast %swap3A_68 : vector<16xf32> to vector<16xf32>
      %swap3A_70 = vector.shape_cast %mul3A_65 : vector<16xf32> to vector<16xf32>
      tpu.vector_store %arg8[%swap3A], %swap3A_70 {strides = array<i32>} : memref<12544xf32, #tpu.memory_space<vmem>>, vector<16xf32>,
      %scan3A_71 = arith.constant 0 : i32
      scf.yield %scan3A_71 : i32
    }
    %scan3A_43 = arith.constant 784 : i32
    %add3A_44 = arith.constant 37632 : i32
    %add3A_45 = arith.addi %mul3A_2, %add3A_44 : i32
    "tpu.region"() ({
      %run_scoped3A = tpu.sem_alloc : memref<!tpu.dma_semaphore, #tpu.memory_space<semaphore_mem>>
      %dma_start3A = tpu.memref_slice %arg7[%add3A_45] : memref<802816xf32, #tpu.memory_space<vmem_shared>> -> memref<12544xf32, #tpu.memory_space<vmem_shared>>
      %dma_start3A_57 = tpu.memref_slice %arg7[%add3A_45] : memref<802816xf32, #tpu.memory_space<vmem_shared>> -> memref<12544xf32, #tpu.memory_space<vmem_shared>>
      tpu.enqueue_dma source(%arg8 : memref<12544xf32, #tpu.memory_space<vmem>>) target(%dma_start3A_57 : memref<12544xf32, #tpu.memory_space<vmem_shared>>) target_semaphore(%run_scoped3A : memref<!tpu.dma_semaphore, #tpu.memory_space<semaphore_mem>>)
      %dma_wait3A = tpu.memref_slice %arg7[%add3A_45] : memref<802816xf32, #tpu.memory_space<vmem_shared>> -> memref<12544xf32, #tpu.memory_space<vmem_shared>>
      %dma_wait3A_58 = tpu.memref_slice %arg7[%add3A_45] : memref<802816xf32, #tpu.memory_space<vmem_shared>> -> memref<12544xf32, #tpu.memory_space<vmem_shared>>
      tpu.wait_dma2 semaphore(%run_scoped3A : memref<!tpu.dma_semaphore, #tpu.memory_space<semaphore_mem>>) src(%arg8 : memref<12544xf32, #tpu.memory_space<vmem>>) dst(%dma_wait3A_58 : memref<12544xf32, #tpu.memory_space<vmem_shared>>)
      tpu.yield
    }) : () -> ()
    %barrier3A = arith.constant 0 : index
    tpu.barrier barrier_id(%barrier3A)
    %scan3A_46 = arith.constant 0 : i32
    %scan3A_47 = arith.constant 0 : i32
    %scan3A_48 = arith.constant 25 : i32
    %scan3A_49 = arith.addi %scan3A_47, %scan3A_48 : i32
    %scan3A_50 = arith.constant 1 : i32
    %scan3A_51 = scf.for %scan3A_57 = %scan3A_47 to %scan3A_49 step %scan3A_50 iter_args(%scan3A_58 = %scan3A_46) -> (i32)  : i32 {
      %mul3A_59 = arith.constant 2 : i32
      %mul3A_60 = arith.muli %mul3A_59, %scan3A_57 : i32
      %add3A_61 = arith.constant 1 : i32
      %add3A_62 = arith.addi %mul3A_60, %add3A_61 : i32
      %mul3A_63 = arith.constant 102400 : i32
      %mul3A_64 = arith.muli %add3A, %mul3A_63 : i32
      %mul3A_65 = arith.constant 2048 : i32
      %mul3A_66 = arith.muli %mul3A_60, %mul3A_65 : i32
      %add3A_67 = arith.addi %mul3A_64, %mul3A_66 : i32
      "tpu.region"() ({
        %run_scoped3A = tpu.sem_alloc : memref<!tpu.dma_semaphore, #tpu.memory_space<semaphore_mem>>
        %dma_start3A_470 = tpu.memref_slice %arg2[%add3A_67] : memref<3276800xi32, #tpu.memory_space<hbm>> -> memref<2048xi32, #tpu.memory_space<hbm>>
        %dma_start3A_471 = tpu.memref_slice %arg2[%add3A_67] : memref<3276800xi32, #tpu.memory_space<hbm>> -> memref<2048xi32, #tpu.memory_space<hbm>>
        tpu.enqueue_dma source(%dma_start3A_471 : memref<2048xi32, #tpu.memory_space<hbm>>) target(%arg9 : memref<2048xi32, #tpu.memory_space<vmem>>) target_semaphore(%run_scoped3A : memref<!tpu.dma_semaphore, #tpu.memory_space<semaphore_mem>>)
        %dma_wait3A_472 = tpu.memref_slice %arg2[%add3A_67] : memref<3276800xi32, #tpu.memory_space<hbm>> -> memref<2048xi32, #tpu.memory_space<hbm>>
        %dma_wait3A_473 = tpu.memref_slice %arg2[%add3A_67] : memref<3276800xi32, #tpu.memory_space<hbm>> -> memref<2048xi32, #tpu.memory_space<hbm>>
        tpu.wait_dma2 semaphore(%run_scoped3A : memref<!tpu.dma_semaphore, #tpu.memory_space<semaphore_mem>>) src(%dma_wait3A_473 : memref<2048xi32, #tpu.memory_space<hbm>>) dst(%arg9 : memref<2048xi32, #tpu.memory_space<vmem>>)
        tpu.yield
      }) : () -> ()
      "tpu.region"() ({
        %run_scoped3A = tpu.sem_alloc : memref<!tpu.dma_semaphore, #tpu.memory_space<semaphore_mem>>
        %dma_start3A_470 = tpu.memref_slice %arg3[%add3A_67] : memref<3276800xi32, #tpu.memory_space<hbm>> -> memref<2048xi32, #tpu.memory_space<hbm>>
        %dma_start3A_471 = tpu.memref_slice %arg3[%add3A_67] : memref<3276800xi32, #tpu.memory_space<hbm>> -> memref<2048xi32, #tpu.memory_space<hbm>>
        tpu.enqueue_dma source(%dma_start3A_471 : memref<2048xi32, #tpu.memory_space<hbm>>) target(%arg10 : memref<2048xi32, #tpu.memory_space<vmem>>) target_semaphore(%run_scoped3A : memref<!tpu.dma_semaphore, #tpu.memory_space<semaphore_mem>>)
        %dma_wait3A_472 = tpu.memref_slice %arg3[%add3A_67] : memref<3276800xi32, #tpu.memory_space<hbm>> -> memref<2048xi32, #tpu.memory_space<hbm>>
        %dma_wait3A_473 = tpu.memref_slice %arg3[%add3A_67] : memref<3276800xi32, #tpu.memory_space<hbm>> -> memref<2048xi32, #tpu.memory_space<hbm>>
        tpu.wait_dma2 semaphore(%run_scoped3A : memref<!tpu.dma_semaphore, #tpu.memory_space<semaphore_mem>>) src(%dma_wait3A_473 : memref<2048xi32, #tpu.memory_space<hbm>>) dst(%arg10 : memref<2048xi32, #tpu.memory_space<vmem>>)
        tpu.yield
      }) : () -> ()
      "tpu.region"() ({
        %run_scoped3A = tpu.sem_alloc : memref<!tpu.dma_semaphore, #tpu.memory_space<semaphore_mem>>
        %dma_start3A_470 = tpu.memref_slice %arg4[%add3A_67] : memref<3276800xf32, #tpu.memory_space<hbm>> -> memref<2048xf32, #tpu.memory_space<hbm>>
        %dma_start3A_471 = tpu.memref_slice %arg4[%add3A_67] : memref<3276800xf32, #tpu.memory_space<hbm>> -> memref<2048xf32, #tpu.memory_space<hbm>>
        tpu.enqueue_dma source(%dma_start3A_471 : memref<2048xf32, #tpu.memory_space<hbm>>) target(%arg11 : memref<2048xf32, #tpu.memory_space<vmem>>) target_semaphore(%run_scoped3A : memref<!tpu.dma_semaphore, #tpu.memory_space<semaphore_mem>>)
        %dma_wait3A_472 = tpu.memref_slice %arg4[%add3A_67] : memref<3276800xf32, #tpu.memory_space<hbm>> -> memref<2048xf32, #tpu.memory_space<hbm>>
        %dma_wait3A_473 = tpu.memref_slice %arg4[%add3A_67] : memref<3276800xf32, #tpu.memory_space<hbm>> -> memref<2048xf32, #tpu.memory_space<hbm>>
        tpu.wait_dma2 semaphore(%run_scoped3A : memref<!tpu.dma_semaphore, #tpu.memory_space<semaphore_mem>>) src(%dma_wait3A_473 : memref<2048xf32, #tpu.memory_space<hbm>>) dst(%arg11 : memref<2048xf32, #tpu.memory_space<vmem>>)
        tpu.yield
      }) : () -> ()
      %dma_start3A = arith.constant 0 : i32
      %dma_start3A_68 = tpu.memref_slice %arg12[%dma_start3A] : memref<16384xf32, #tpu.memory_space<vmem>> -> memref<2048xf32, #tpu.memory_space<vmem>>
      %dma_start3A_69 = arith.constant 0 : i32
      %dma_start3A_70 = tpu.memref_slice %arg5[%dma_start3A_69] : memref<1605632xf32, #tpu.memory_space<hbm>> -> memref<100352xf32, #tpu.memory_space<hbm>>
      %dma_start3A_71 = arith.constant 0 : i32
      %dma_start3A_72 = tpu.memref_slice %dma_start3A_70[%dma_start3A_71] : memref<100352xf32, #tpu.memory_space<hbm>> -> memref<100352xf32, #tpu.memory_space<hbm>>
      tpu.enqueue_indirect_dma source(%dma_start3A_72 : memref<100352xf32, #tpu.memory_space<hbm>>) target(%dma_start3A_68 : memref<2048xf32, #tpu.memory_space<vmem>>) offsets(%arg9 : memref<2048xi32, #tpu.memory_space<vmem>>) semaphore(%arg17 : memref<!tpu.dma_semaphore, #tpu.memory_space<semaphore_mem>>)
      %dma_start3A_73 = arith.constant 2048 : i32
      %dma_start3A_74 = tpu.memref_slice %arg12[%dma_start3A_73] : memref<16384xf32, #tpu.memory_space<vmem>> -> memref<2048xf32, #tpu.memory_space<vmem>>
      %dma_start3A_75 = arith.constant 100352 : i32
      %dma_start3A_76 = tpu.memref_slice %arg5[%dma_start3A_75] : memref<1605632xf32, #tpu.memory_space<hbm>> -> memref<100352xf32, #tpu.memory_space<hbm>>
      %dma_start3A_77 = arith.constant 0 : i32
      %dma_start3A_78 = tpu.memref_slice %dma_start3A_76[%dma_start3A_77] : memref<100352xf32, #tpu.memory_space<hbm>> -> memref<100352xf32, #tpu.memory_space<hbm>>
      tpu.enqueue_indirect_dma source(%dma_start3A_78 : memref<100352xf32, #tpu.memory_space<hbm>>) target(%dma_start3A_74 : memref<2048xf32, #tpu.memory_space<vmem>>) offsets(%arg9 : memref<2048xi32, #tpu.memory_space<vmem>>) semaphore(%arg17 : memref<!tpu.dma_semaphore, #tpu.memory_space<semaphore_mem>>)
      %dma_start3A_79 = arith.constant 4096 : i32
      %dma_start3A_80 = tpu.memref_slice %arg12[%dma_start3A_79] : memref<16384xf32, #tpu.memory_space<vmem>> -> memref<2048xf32, #tpu.memory_space<vmem>>
      %dma_start3A_81 = arith.constant 200704 : i32
      %dma_start3A_82 = tpu.memref_slice %arg5[%dma_start3A_81] : memref<1605632xf32, #tpu.memory_space<hbm>> -> memref<100352xf32, #tpu.memory_space<hbm>>
      %dma_start3A_83 = arith.constant 0 : i32
      %dma_start3A_84 = tpu.memref_slice %dma_start3A_82[%dma_start3A_83] : memref<100352xf32, #tpu.memory_space<hbm>> -> memref<100352xf32, #tpu.memory_space<hbm>>
      tpu.enqueue_indirect_dma source(%dma_start3A_84 : memref<100352xf32, #tpu.memory_space<hbm>>) target(%dma_start3A_80 : memref<2048xf32, #tpu.memory_space<vmem>>) offsets(%arg9 : memref<2048xi32, #tpu.memory_space<vmem>>) semaphore(%arg17 : memref<!tpu.dma_semaphore, #tpu.memory_space<semaphore_mem>>)
      %dma_start3A_85 = arith.constant 6144 : i32
      %dma_start3A_86 = tpu.memref_slice %arg12[%dma_start3A_85] : memref<16384xf32, #tpu.memory_space<vmem>> -> memref<2048xf32, #tpu.memory_space<vmem>>
      %dma_start3A_87 = arith.constant 301056 : i32
      %dma_start3A_88 = tpu.memref_slice %arg5[%dma_start3A_87] : memref<1605632xf32, #tpu.memory_space<hbm>> -> memref<100352xf32, #tpu.memory_space<hbm>>
      %dma_start3A_89 = arith.constant 0 : i32
      %dma_start3A_90 = tpu.memref_slice %dma_start3A_88[%dma_start3A_89] : memref<100352xf32, #tpu.memory_space<hbm>> -> memref<100352xf32, #tpu.memory_space<hbm>>
      tpu.enqueue_indirect_dma source(%dma_start3A_90 : memref<100352xf32, #tpu.memory_space<hbm>>) target(%dma_start3A_86 : memref<2048xf32, #tpu.memory_space<vmem>>) offsets(%arg9 : memref<2048xi32, #tpu.memory_space<vmem>>) semaphore(%arg17 : memref<!tpu.dma_semaphore, #tpu.memory_space<semaphore_mem>>)
      %dma_start3A_91 = arith.constant 8192 : i32
      %dma_start3A_92 = tpu.memref_slice %arg12[%dma_start3A_91] : memref<16384xf32, #tpu.memory_space<vmem>> -> memref<2048xf32, #tpu.memory_space<vmem>>
      %dma_start3A_93 = arith.constant 401408 : i32
      %dma_start3A_94 = tpu.memref_slice %arg5[%dma_start3A_93] : memref<1605632xf32, #tpu.memory_space<hbm>> -> memref<100352xf32, #tpu.memory_space<hbm>>
      %dma_start3A_95 = arith.constant 0 : i32
      %dma_start3A_96 = tpu.memref_slice %dma_start3A_94[%dma_start3A_95] : memref<100352xf32, #tpu.memory_space<hbm>> -> memref<100352xf32, #tpu.memory_space<hbm>>
      tpu.enqueue_indirect_dma source(%dma_start3A_96 : memref<100352xf32, #tpu.memory_space<hbm>>) target(%dma_start3A_92 : memref<2048xf32, #tpu.memory_space<vmem>>) offsets(%arg9 : memref<2048xi32, #tpu.memory_space<vmem>>) semaphore(%arg17 : memref<!tpu.dma_semaphore, #tpu.memory_space<semaphore_mem>>)
      %dma_start3A_97 = arith.constant 10240 : i32
      %dma_start3A_98 = tpu.memref_slice %arg12[%dma_start3A_97] : memref<16384xf32, #tpu.memory_space<vmem>> -> memref<2048xf32, #tpu.memory_space<vmem>>
      %dma_start3A_99 = arith.constant 501760 : i32
      %dma_start3A_100 = tpu.memref_slice %arg5[%dma_start3A_99] : memref<1605632xf32, #tpu.memory_space<hbm>> -> memref<100352xf32, #tpu.memory_space<hbm>>
      %dma_start3A_101 = arith.constant 0 : i32
      %dma_start3A_102 = tpu.memref_slice %dma_start3A_100[%dma_start3A_101] : memref<100352xf32, #tpu.memory_space<hbm>> -> memref<100352xf32, #tpu.memory_space<hbm>>
      tpu.enqueue_indirect_dma source(%dma_start3A_102 : memref<100352xf32, #tpu.memory_space<hbm>>) target(%dma_start3A_98 : memref<2048xf32, #tpu.memory_space<vmem>>) offsets(%arg9 : memref<2048xi32, #tpu.memory_space<vmem>>) semaphore(%arg17 : memref<!tpu.dma_semaphore, #tpu.memory_space<semaphore_mem>>)
      %dma_start3A_103 = arith.constant 12288 : i32
      %dma_start3A_104 = tpu.memref_slice %arg12[%dma_start3A_103] : memref<16384xf32, #tpu.memory_space<vmem>> -> memref<2048xf32, #tpu.memory_space<vmem>>
      %dma_start3A_105 = arith.constant 602112 : i32
      %dma_start3A_106 = tpu.memref_slice %arg5[%dma_start3A_105] : memref<1605632xf32, #tpu.memory_space<hbm>> -> memref<100352xf32, #tpu.memory_space<hbm>>
      %dma_start3A_107 = arith.constant 0 : i32
      %dma_start3A_108 = tpu.memref_slice %dma_start3A_106[%dma_start3A_107] : memref<100352xf32, #tpu.memory_space<hbm>> -> memref<100352xf32, #tpu.memory_space<hbm>>
      tpu.enqueue_indirect_dma source(%dma_start3A_108 : memref<100352xf32, #tpu.memory_space<hbm>>) target(%dma_start3A_104 : memref<2048xf32, #tpu.memory_space<vmem>>) offsets(%arg9 : memref<2048xi32, #tpu.memory_space<vmem>>) semaphore(%arg17 : memref<!tpu.dma_semaphore, #tpu.memory_space<semaphore_mem>>)
      %dma_start3A_109 = arith.constant 14336 : i32
      %dma_start3A_110 = tpu.memref_slice %arg12[%dma_start3A_109] : memref<16384xf32, #tpu.memory_space<vmem>> -> memref<2048xf32, #tpu.memory_space<vmem>>
      %dma_start3A_111 = arith.constant 702464 : i32
      %dma_start3A_112 = tpu.memref_slice %arg5[%dma_start3A_111] : memref<1605632xf32, #tpu.memory_space<hbm>> -> memref<100352xf32, #tpu.memory_space<hbm>>
      %dma_start3A_113 = arith.constant 0 : i32
      %dma_start3A_114 = tpu.memref_slice %dma_start3A_112[%dma_start3A_113] : memref<100352xf32, #tpu.memory_space<hbm>> -> memref<100352xf32, #tpu.memory_space<hbm>>
      tpu.enqueue_indirect_dma source(%dma_start3A_114 : memref<100352xf32, #tpu.memory_space<hbm>>) target(%dma_start3A_110 : memref<2048xf32, #tpu.memory_space<vmem>>) offsets(%arg9 : memref<2048xi32, #tpu.memory_space<vmem>>) semaphore(%arg17 : memref<!tpu.dma_semaphore, #tpu.memory_space<semaphore_mem>>)
      %mul3A_115 = arith.constant 102400 : i32
      %mul3A_116 = arith.muli %add3A, %mul3A_115 : i32
      %mul3A_117 = arith.constant 2048 : i32
      %mul3A_118 = arith.muli %add3A_62, %mul3A_117 : i32
      %add3A_119 = arith.addi %mul3A_116, %mul3A_118 : i32
      "tpu.region"() ({
        %run_scoped3A = tpu.sem_alloc : memref<!tpu.dma_semaphore, #tpu.memory_space<semaphore_mem>>
        %dma_start3A_470 = tpu.memref_slice %arg2[%add3A_119] : memref<3276800xi32, #tpu.memory_space<hbm>> -> memref<2048xi32, #tpu.memory_space<hbm>>
        %dma_start3A_471 = tpu.memref_slice %arg2[%add3A_119] : memref<3276800xi32, #tpu.memory_space<hbm>> -> memref<2048xi32, #tpu.memory_space<hbm>>
        tpu.enqueue_dma source(%dma_start3A_471 : memref<2048xi32, #tpu.memory_space<hbm>>) target(%arg13 : memref<2048xi32, #tpu.memory_space<vmem>>) target_semaphore(%run_scoped3A : memref<!tpu.dma_semaphore, #tpu.memory_space<semaphore_mem>>)
        %dma_wait3A_472 = tpu.memref_slice %arg2[%add3A_119] : memref<3276800xi32, #tpu.memory_space<hbm>> -> memref<2048xi32, #tpu.memory_space<hbm>>
        %dma_wait3A_473 = tpu.memref_slice %arg2[%add3A_119] : memref<3276800xi32, #tpu.memory_space<hbm>> -> memref<2048xi32, #tpu.memory_space<hbm>>
        tpu.wait_dma2 semaphore(%run_scoped3A : memref<!tpu.dma_semaphore, #tpu.memory_space<semaphore_mem>>) src(%dma_wait3A_473 : memref<2048xi32, #tpu.memory_space<hbm>>) dst(%arg13 : memref<2048xi32, #tpu.memory_space<vmem>>)
        tpu.yield
      }) : () -> ()
      "tpu.region"() ({
        %run_scoped3A = tpu.sem_alloc : memref<!tpu.dma_semaphore, #tpu.memory_space<semaphore_mem>>
        %dma_start3A_470 = tpu.memref_slice %arg3[%add3A_119] : memref<3276800xi32, #tpu.memory_space<hbm>> -> memref<2048xi32, #tpu.memory_space<hbm>>
        %dma_start3A_471 = tpu.memref_slice %arg3[%add3A_119] : memref<3276800xi32, #tpu.memory_space<hbm>> -> memref<2048xi32, #tpu.memory_space<hbm>>
        tpu.enqueue_dma source(%dma_start3A_471 : memref<2048xi32, #tpu.memory_space<hbm>>) target(%arg14 : memref<2048xi32, #tpu.memory_space<vmem>>) target_semaphore(%run_scoped3A : memref<!tpu.dma_semaphore, #tpu.memory_space<semaphore_mem>>)
        %dma_wait3A_472 = tpu.memref_slice %arg3[%add3A_119] : memref<3276800xi32, #tpu.memory_space<hbm>> -> memref<2048xi32, #tpu.memory_space<hbm>>
        %dma_wait3A_473 = tpu.memref_slice %arg3[%add3A_119] : memref<3276800xi32, #tpu.memory_space<hbm>> -> memref<2048xi32, #tpu.memory_space<hbm>>
        tpu.wait_dma2 semaphore(%run_scoped3A : memref<!tpu.dma_semaphore, #tpu.memory_space<semaphore_mem>>) src(%dma_wait3A_473 : memref<2048xi32, #tpu.memory_space<hbm>>) dst(%arg14 : memref<2048xi32, #tpu.memory_space<vmem>>)
        tpu.yield
      }) : () -> ()
      "tpu.region"() ({
        %run_scoped3A = tpu.sem_alloc : memref<!tpu.dma_semaphore, #tpu.memory_space<semaphore_mem>>
        %dma_start3A_470 = tpu.memref_slice %arg4[%add3A_119] : memref<3276800xf32, #tpu.memory_space<hbm>> -> memref<2048xf32, #tpu.memory_space<hbm>>
        %dma_start3A_471 = tpu.memref_slice %arg4[%add3A_119] : memref<3276800xf32, #tpu.memory_space<hbm>> -> memref<2048xf32, #tpu.memory_space<hbm>>
        tpu.enqueue_dma source(%dma_start3A_471 : memref<2048xf32, #tpu.memory_space<hbm>>) target(%arg15 : memref<2048xf32, #tpu.memory_space<vmem>>) target_semaphore(%run_scoped3A : memref<!tpu.dma_semaphore, #tpu.memory_space<semaphore_mem>>)
        %dma_wait3A_472 = tpu.memref_slice %arg4[%add3A_119] : memref<3276800xf32, #tpu.memory_space<hbm>> -> memref<2048xf32, #tpu.memory_space<hbm>>
        %dma_wait3A_473 = tpu.memref_slice %arg4[%add3A_119] : memref<3276800xf32, #tpu.memory_space<hbm>> -> memref<2048xf32, #tpu.memory_space<hbm>>
        tpu.wait_dma2 semaphore(%run_scoped3A : memref<!tpu.dma_semaphore, #tpu.memory_space<semaphore_mem>>) src(%dma_wait3A_473 : memref<2048xf32, #tpu.memory_space<hbm>>) dst(%arg15 : memref<2048xf32, #tpu.memory_space<vmem>>)
        tpu.yield
      }) : () -> ()
      %dma_start3A_120 = arith.constant 0 : i32
      %dma_start3A_121 = tpu.memref_slice %arg16[%dma_start3A_120] : memref<16384xf32, #tpu.memory_space<vmem>> -> memref<2048xf32, #tpu.memory_space<vmem>>
      %dma_start3A_122 = arith.constant 0 : i32
      %dma_start3A_123 = tpu.memref_slice %arg5[%dma_start3A_122] : memref<1605632xf32, #tpu.memory_space<hbm>> -> memref<100352xf32, #tpu.memory_space<hbm>>
      %dma_start3A_124 = arith.constant 0 : i32
      %dma_start3A_125 = tpu.memref_slice %dma_start3A_123[%dma_start3A_124] : memref<100352xf32, #tpu.memory_space<hbm>> -> memref<100352xf32, #tpu.memory_space<hbm>>
      tpu.enqueue_indirect_dma source(%dma_start3A_125 : memref<100352xf32, #tpu.memory_space<hbm>>) target(%dma_start3A_121 : memref<2048xf32, #tpu.memory_space<vmem>>) offsets(%arg13 : memref<2048xi32, #tpu.memory_space<vmem>>) semaphore(%arg18 : memref<!tpu.dma_semaphore, #tpu.memory_space<semaphore_mem>>)
      %dma_start3A_126 = arith.constant 2048 : i32
      %dma_start3A_127 = tpu.memref_slice %arg16[%dma_start3A_126] : memref<16384xf32, #tpu.memory_space<vmem>> -> memref<2048xf32, #tpu.memory_space<vmem>>
      %dma_start3A_128 = arith.constant 100352 : i32
      %dma_start3A_129 = tpu.memref_slice %arg5[%dma_start3A_128] : memref<1605632xf32, #tpu.memory_space<hbm>> -> memref<100352xf32, #tpu.memory_space<hbm>>
      %dma_start3A_130 = arith.constant 0 : i32
      %dma_start3A_131 = tpu.memref_slice %dma_start3A_129[%dma_start3A_130] : memref<100352xf32, #tpu.memory_space<hbm>> -> memref<100352xf32, #tpu.memory_space<hbm>>
      tpu.enqueue_indirect_dma source(%dma_start3A_131 : memref<100352xf32, #tpu.memory_space<hbm>>) target(%dma_start3A_127 : memref<2048xf32, #tpu.memory_space<vmem>>) offsets(%arg13 : memref<2048xi32, #tpu.memory_space<vmem>>) semaphore(%arg18 : memref<!tpu.dma_semaphore, #tpu.memory_space<semaphore_mem>>)
      %dma_start3A_132 = arith.constant 4096 : i32
      %dma_start3A_133 = tpu.memref_slice %arg16[%dma_start3A_132] : memref<16384xf32, #tpu.memory_space<vmem>> -> memref<2048xf32, #tpu.memory_space<vmem>>
      %dma_start3A_134 = arith.constant 200704 : i32
      %dma_start3A_135 = tpu.memref_slice %arg5[%dma_start3A_134] : memref<1605632xf32, #tpu.memory_space<hbm>> -> memref<100352xf32, #tpu.memory_space<hbm>>
      %dma_start3A_136 = arith.constant 0 : i32
      %dma_start3A_137 = tpu.memref_slice %dma_start3A_135[%dma_start3A_136] : memref<100352xf32, #tpu.memory_space<hbm>> -> memref<100352xf32, #tpu.memory_space<hbm>>
      tpu.enqueue_indirect_dma source(%dma_start3A_137 : memref<100352xf32, #tpu.memory_space<hbm>>) target(%dma_start3A_133 : memref<2048xf32, #tpu.memory_space<vmem>>) offsets(%arg13 : memref<2048xi32, #tpu.memory_space<vmem>>) semaphore(%arg18 : memref<!tpu.dma_semaphore, #tpu.memory_space<semaphore_mem>>)
      %dma_start3A_138 = arith.constant 6144 : i32
      %dma_start3A_139 = tpu.memref_slice %arg16[%dma_start3A_138] : memref<16384xf32, #tpu.memory_space<vmem>> -> memref<2048xf32, #tpu.memory_space<vmem>>
      %dma_start3A_140 = arith.constant 301056 : i32
      %dma_start3A_141 = tpu.memref_slice %arg5[%dma_start3A_140] : memref<1605632xf32, #tpu.memory_space<hbm>> -> memref<100352xf32, #tpu.memory_space<hbm>>
      %dma_start3A_142 = arith.constant 0 : i32
      %dma_start3A_143 = tpu.memref_slice %dma_start3A_141[%dma_start3A_142] : memref<100352xf32, #tpu.memory_space<hbm>> -> memref<100352xf32, #tpu.memory_space<hbm>>
      tpu.enqueue_indirect_dma source(%dma_start3A_143 : memref<100352xf32, #tpu.memory_space<hbm>>) target(%dma_start3A_139 : memref<2048xf32, #tpu.memory_space<vmem>>) offsets(%arg13 : memref<2048xi32, #tpu.memory_space<vmem>>) semaphore(%arg18 : memref<!tpu.dma_semaphore, #tpu.memory_space<semaphore_mem>>)
      %dma_start3A_144 = arith.constant 8192 : i32
      %dma_start3A_145 = tpu.memref_slice %arg16[%dma_start3A_144] : memref<16384xf32, #tpu.memory_space<vmem>> -> memref<2048xf32, #tpu.memory_space<vmem>>
      %dma_start3A_146 = arith.constant 401408 : i32
      %dma_start3A_147 = tpu.memref_slice %arg5[%dma_start3A_146] : memref<1605632xf32, #tpu.memory_space<hbm>> -> memref<100352xf32, #tpu.memory_space<hbm>>
      %dma_start3A_148 = arith.constant 0 : i32
      %dma_start3A_149 = tpu.memref_slice %dma_start3A_147[%dma_start3A_148] : memref<100352xf32, #tpu.memory_space<hbm>> -> memref<100352xf32, #tpu.memory_space<hbm>>
      tpu.enqueue_indirect_dma source(%dma_start3A_149 : memref<100352xf32, #tpu.memory_space<hbm>>) target(%dma_start3A_145 : memref<2048xf32, #tpu.memory_space<vmem>>) offsets(%arg13 : memref<2048xi32, #tpu.memory_space<vmem>>) semaphore(%arg18 : memref<!tpu.dma_semaphore, #tpu.memory_space<semaphore_mem>>)
      %dma_start3A_150 = arith.constant 10240 : i32
      %dma_start3A_151 = tpu.memref_slice %arg16[%dma_start3A_150] : memref<16384xf32, #tpu.memory_space<vmem>> -> memref<2048xf32, #tpu.memory_space<vmem>>
      %dma_start3A_152 = arith.constant 501760 : i32
      %dma_start3A_153 = tpu.memref_slice %arg5[%dma_start3A_152] : memref<1605632xf32, #tpu.memory_space<hbm>> -> memref<100352xf32, #tpu.memory_space<hbm>>
      %dma_start3A_154 = arith.constant 0 : i32
      %dma_start3A_155 = tpu.memref_slice %dma_start3A_153[%dma_start3A_154] : memref<100352xf32, #tpu.memory_space<hbm>> -> memref<100352xf32, #tpu.memory_space<hbm>>
      tpu.enqueue_indirect_dma source(%dma_start3A_155 : memref<100352xf32, #tpu.memory_space<hbm>>) target(%dma_start3A_151 : memref<2048xf32, #tpu.memory_space<vmem>>) offsets(%arg13 : memref<2048xi32, #tpu.memory_space<vmem>>) semaphore(%arg18 : memref<!tpu.dma_semaphore, #tpu.memory_space<semaphore_mem>>)
      %dma_start3A_156 = arith.constant 12288 : i32
      %dma_start3A_157 = tpu.memref_slice %arg16[%dma_start3A_156] : memref<16384xf32, #tpu.memory_space<vmem>> -> memref<2048xf32, #tpu.memory_space<vmem>>
      %dma_start3A_158 = arith.constant 602112 : i32
      %dma_start3A_159 = tpu.memref_slice %arg5[%dma_start3A_158] : memref<1605632xf32, #tpu.memory_space<hbm>> -> memref<100352xf32, #tpu.memory_space<hbm>>
      %dma_start3A_160 = arith.constant 0 : i32
      %dma_start3A_161 = tpu.memref_slice %dma_start3A_159[%dma_start3A_160] : memref<100352xf32, #tpu.memory_space<hbm>> -> memref<100352xf32, #tpu.memory_space<hbm>>
      tpu.enqueue_indirect_dma source(%dma_start3A_161 : memref<100352xf32, #tpu.memory_space<hbm>>) target(%dma_start3A_157 : memref<2048xf32, #tpu.memory_space<vmem>>) offsets(%arg13 : memref<2048xi32, #tpu.memory_space<vmem>>) semaphore(%arg18 : memref<!tpu.dma_semaphore, #tpu.memory_space<semaphore_mem>>)
      %dma_start3A_162 = arith.constant 14336 : i32
      %dma_start3A_163 = tpu.memref_slice %arg16[%dma_start3A_162] : memref<16384xf32, #tpu.memory_space<vmem>> -> memref<2048xf32, #tpu.memory_space<vmem>>
      %dma_start3A_164 = arith.constant 702464 : i32
      %dma_start3A_165 = tpu.memref_slice %arg5[%dma_start3A_164] : memref<1605632xf32, #tpu.memory_space<hbm>> -> memref<100352xf32, #tpu.memory_space<hbm>>
      %dma_start3A_166 = arith.constant 0 : i32
      %dma_start3A_167 = tpu.memref_slice %dma_start3A_165[%dma_start3A_166] : memref<100352xf32, #tpu.memory_space<hbm>> -> memref<100352xf32, #tpu.memory_space<hbm>>
      tpu.enqueue_indirect_dma source(%dma_start3A_167 : memref<100352xf32, #tpu.memory_space<hbm>>) target(%dma_start3A_163 : memref<2048xf32, #tpu.memory_space<vmem>>) offsets(%arg13 : memref<2048xi32, #tpu.memory_space<vmem>>) semaphore(%arg18 : memref<!tpu.dma_semaphore, #tpu.memory_space<semaphore_mem>>)
      %dma_wait3A = arith.constant 0 : i32
      %dma_wait3A_168 = tpu.memref_slice %arg12[%dma_wait3A] : memref<16384xf32, #tpu.memory_space<vmem>> -> memref<2048xf32, #tpu.memory_space<vmem>>
      %dma_wait3A_169 = arith.constant 0 : i32
      %dma_wait3A_170 = tpu.memref_slice %arg5[%dma_wait3A_169] : memref<1605632xf32, #tpu.memory_space<hbm>> -> memref<100352xf32, #tpu.memory_space<hbm>>
      %dma_wait3A_171 = arith.constant 0 : i32
      %dma_wait3A_172 = tpu.memref_slice %dma_wait3A_170[%dma_wait3A_171] : memref<100352xf32, #tpu.memory_space<hbm>> -> memref<100352xf32, #tpu.memory_space<hbm>>
      tpu.wait_indirect_dma semaphore(%arg17 : memref<!tpu.dma_semaphore, #tpu.memory_space<semaphore_mem>>) src(%dma_wait3A_172 : memref<100352xf32, #tpu.memory_space<hbm>>) dst(%dma_wait3A_168 : memref<2048xf32, #tpu.memory_space<vmem>>)
      %dma_wait3A_173 = arith.constant 2048 : i32
      %dma_wait3A_174 = tpu.memref_slice %arg12[%dma_wait3A_173] : memref<16384xf32, #tpu.memory_space<vmem>> -> memref<2048xf32, #tpu.memory_space<vmem>>
      %dma_wait3A_175 = arith.constant 100352 : i32
      %dma_wait3A_176 = tpu.memref_slice %arg5[%dma_wait3A_175] : memref<1605632xf32, #tpu.memory_space<hbm>> -> memref<100352xf32, #tpu.memory_space<hbm>>
      %dma_wait3A_177 = arith.constant 0 : i32
      %dma_wait3A_178 = tpu.memref_slice %dma_wait3A_176[%dma_wait3A_177] : memref<100352xf32, #tpu.memory_space<hbm>> -> memref<100352xf32, #tpu.memory_space<hbm>>
      tpu.wait_indirect_dma semaphore(%arg17 : memref<!tpu.dma_semaphore, #tpu.memory_space<semaphore_mem>>) src(%dma_wait3A_178 : memref<100352xf32, #tpu.memory_space<hbm>>) dst(%dma_wait3A_174 : memref<2048xf32, #tpu.memory_space<vmem>>)
      %dma_wait3A_179 = arith.constant 4096 : i32
      %dma_wait3A_180 = tpu.memref_slice %arg12[%dma_wait3A_179] : memref<16384xf32, #tpu.memory_space<vmem>> -> memref<2048xf32, #tpu.memory_space<vmem>>
      %dma_wait3A_181 = arith.constant 200704 : i32
      %dma_wait3A_182 = tpu.memref_slice %arg5[%dma_wait3A_181] : memref<1605632xf32, #tpu.memory_space<hbm>> -> memref<100352xf32, #tpu.memory_space<hbm>>
      %dma_wait3A_183 = arith.constant 0 : i32
      %dma_wait3A_184 = tpu.memref_slice %dma_wait3A_182[%dma_wait3A_183] : memref<100352xf32, #tpu.memory_space<hbm>> -> memref<100352xf32, #tpu.memory_space<hbm>>
      tpu.wait_indirect_dma semaphore(%arg17 : memref<!tpu.dma_semaphore, #tpu.memory_space<semaphore_mem>>) src(%dma_wait3A_184 : memref<100352xf32, #tpu.memory_space<hbm>>) dst(%dma_wait3A_180 : memref<2048xf32, #tpu.memory_space<vmem>>)
      %dma_wait3A_185 = arith.constant 6144 : i32
      %dma_wait3A_186 = tpu.memref_slice %arg12[%dma_wait3A_185] : memref<16384xf32, #tpu.memory_space<vmem>> -> memref<2048xf32, #tpu.memory_space<vmem>>
      %dma_wait3A_187 = arith.constant 301056 : i32
      %dma_wait3A_188 = tpu.memref_slice %arg5[%dma_wait3A_187] : memref<1605632xf32, #tpu.memory_space<hbm>> -> memref<100352xf32, #tpu.memory_space<hbm>>
      %dma_wait3A_189 = arith.constant 0 : i32
      %dma_wait3A_190 = tpu.memref_slice %dma_wait3A_188[%dma_wait3A_189] : memref<100352xf32, #tpu.memory_space<hbm>> -> memref<100352xf32, #tpu.memory_space<hbm>>
      tpu.wait_indirect_dma semaphore(%arg17 : memref<!tpu.dma_semaphore, #tpu.memory_space<semaphore_mem>>) src(%dma_wait3A_190 : memref<100352xf32, #tpu.memory_space<hbm>>) dst(%dma_wait3A_186 : memref<2048xf32, #tpu.memory_space<vmem>>)
      %dma_wait3A_191 = arith.constant 8192 : i32
      %dma_wait3A_192 = tpu.memref_slice %arg12[%dma_wait3A_191] : memref<16384xf32, #tpu.memory_space<vmem>> -> memref<2048xf32, #tpu.memory_space<vmem>>
      %dma_wait3A_193 = arith.constant 401408 : i32
      %dma_wait3A_194 = tpu.memref_slice %arg5[%dma_wait3A_193] : memref<1605632xf32, #tpu.memory_space<hbm>> -> memref<100352xf32, #tpu.memory_space<hbm>>
      %dma_wait3A_195 = arith.constant 0 : i32
      %dma_wait3A_196 = tpu.memref_slice %dma_wait3A_194[%dma_wait3A_195] : memref<100352xf32, #tpu.memory_space<hbm>> -> memref<100352xf32, #tpu.memory_space<hbm>>
      tpu.wait_indirect_dma semaphore(%arg17 : memref<!tpu.dma_semaphore, #tpu.memory_space<semaphore_mem>>) src(%dma_wait3A_196 : memref<100352xf32, #tpu.memory_space<hbm>>) dst(%dma_wait3A_192 : memref<2048xf32, #tpu.memory_space<vmem>>)
      %dma_wait3A_197 = arith.constant 10240 : i32
      %dma_wait3A_198 = tpu.memref_slice %arg12[%dma_wait3A_197] : memref<16384xf32, #tpu.memory_space<vmem>> -> memref<2048xf32, #tpu.memory_space<vmem>>
      %dma_wait3A_199 = arith.constant 501760 : i32
      %dma_wait3A_200 = tpu.memref_slice %arg5[%dma_wait3A_199] : memref<1605632xf32, #tpu.memory_space<hbm>> -> memref<100352xf32, #tpu.memory_space<hbm>>
      %dma_wait3A_201 = arith.constant 0 : i32
      %dma_wait3A_202 = tpu.memref_slice %dma_wait3A_200[%dma_wait3A_201] : memref<100352xf32, #tpu.memory_space<hbm>> -> memref<100352xf32, #tpu.memory_space<hbm>>
      tpu.wait_indirect_dma semaphore(%arg17 : memref<!tpu.dma_semaphore, #tpu.memory_space<semaphore_mem>>) src(%dma_wait3A_202 : memref<100352xf32, #tpu.memory_space<hbm>>) dst(%dma_wait3A_198 : memref<2048xf32, #tpu.memory_space<vmem>>)
      %dma_wait3A_203 = arith.constant 12288 : i32
      %dma_wait3A_204 = tpu.memref_slice %arg12[%dma_wait3A_203] : memref<16384xf32, #tpu.memory_space<vmem>> -> memref<2048xf32, #tpu.memory_space<vmem>>
      %dma_wait3A_205 = arith.constant 602112 : i32
      %dma_wait3A_206 = tpu.memref_slice %arg5[%dma_wait3A_205] : memref<1605632xf32, #tpu.memory_space<hbm>> -> memref<100352xf32, #tpu.memory_space<hbm>>
      %dma_wait3A_207 = arith.constant 0 : i32
      %dma_wait3A_208 = tpu.memref_slice %dma_wait3A_206[%dma_wait3A_207] : memref<100352xf32, #tpu.memory_space<hbm>> -> memref<100352xf32, #tpu.memory_space<hbm>>
      tpu.wait_indirect_dma semaphore(%arg17 : memref<!tpu.dma_semaphore, #tpu.memory_space<semaphore_mem>>) src(%dma_wait3A_208 : memref<100352xf32, #tpu.memory_space<hbm>>) dst(%dma_wait3A_204 : memref<2048xf32, #tpu.memory_space<vmem>>)
      %dma_wait3A_209 = arith.constant 14336 : i32
      %dma_wait3A_210 = tpu.memref_slice %arg12[%dma_wait3A_209] : memref<16384xf32, #tpu.memory_space<vmem>> -> memref<2048xf32, #tpu.memory_space<vmem>>
      %dma_wait3A_211 = arith.constant 702464 : i32
      %dma_wait3A_212 = tpu.memref_slice %arg5[%dma_wait3A_211] : memref<1605632xf32, #tpu.memory_space<hbm>> -> memref<100352xf32, #tpu.memory_space<hbm>>
      %dma_wait3A_213 = arith.constant 0 : i32
      %dma_wait3A_214 = tpu.memref_slice %dma_wait3A_212[%dma_wait3A_213] : memref<100352xf32, #tpu.memory_space<hbm>> -> memref<100352xf32, #tpu.memory_space<hbm>>
      tpu.wait_indirect_dma semaphore(%arg17 : memref<!tpu.dma_semaphore, #tpu.memory_space<semaphore_mem>>) src(%dma_wait3A_214 : memref<100352xf32, #tpu.memory_space<hbm>>) dst(%dma_wait3A_210 : memref<2048xf32, #tpu.memory_space<vmem>>)
      %scan3A_215 = arith.constant 0 : i32
      %scan3A_216 = arith.constant 0 : i32
      %scan3A_217 = arith.constant 128 : i32
      %scan3A_218 = arith.addi %scan3A_216, %scan3A_217 : i32
      %scan3A_219 = arith.constant 1 : i32
      %scan3A_220 = scf.for %scan3A_470 = %scan3A_216 to %scan3A_218 step %scan3A_219 iter_args(%scan3A_471 = %scan3A_215) -> (i32)  : i32 {
        %mul3A_472 = arith.constant 16 : i32
        %mul3A_473 = arith.muli %scan3A_470, %mul3A_472 : i32
        %get3A = arith.index_cast %mul3A_473 : i32 to index
        %get3A_474 = tpu.vector_load %arg11[%get3A] {strides = array<i32>} : memref<2048xf32, #tpu.memory_space<vmem>>, vector<16xf32>,
        %get3A_475 = vector.shape_cast %get3A_474 : vector<16xf32> to vector<16xf32>
        %mul3A_476 = arith.constant 16 : i32
        %mul3A_477 = arith.muli %scan3A_470, %mul3A_476 : i32
        %add3A_478 = arith.constant 0 : i32
        %add3A_479 = arith.addi %add3A_478, %mul3A_477 : i32
        %get3A_480 = arith.index_cast %add3A_479 : i32 to index
        %get3A_481 = tpu.vector_load %arg12[%get3A_480] {strides = array<i32>} : memref<16384xf32, #tpu.memory_space<vmem>>, vector<16xf32>,
        %get3A_482 = vector.shape_cast %get3A_481 : vector<16xf32> to vector<16xf32>
        %mul3A_483 = arith.mulf %get3A_482, %get3A_475 : vector<16xf32>
        %swap3A = arith.index_cast %add3A_479 : i32 to index
        %swap3A_484 = tpu.vector_load %arg12[%swap3A] {strides = array<i32>} : memref<16384xf32, #tpu.memory_space<vmem>>, vector<16xf32>,
        %swap3A_485 = vector.shape_cast %swap3A_484 : vector<16xf32> to vector<16xf32>
        %swap3A_486 = vector.shape_cast %mul3A_483 : vector<16xf32> to vector<16xf32>
        tpu.vector_store %arg12[%swap3A], %swap3A_486 {strides = array<i32>} : memref<16384xf32, #tpu.memory_space<vmem>>, vector<16xf32>,
        %mul3A_487 = arith.constant 16 : i32
        %mul3A_488 = arith.muli %scan3A_470, %mul3A_487 : i32
        %add3A_489 = arith.constant 2048 : i32
        %add3A_490 = arith.addi %add3A_489, %mul3A_488 : i32
        %get3A_491 = arith.index_cast %add3A_490 : i32 to index
        %get3A_492 = tpu.vector_load %arg12[%get3A_491] {strides = array<i32>} : memref<16384xf32, #tpu.memory_space<vmem>>, vector<16xf32>,
        %get3A_493 = vector.shape_cast %get3A_492 : vector<16xf32> to vector<16xf32>
        %mul3A_494 = arith.mulf %get3A_493, %get3A_475 : vector<16xf32>
        %swap3A_495 = arith.index_cast %add3A_490 : i32 to index
        %swap3A_496 = tpu.vector_load %arg12[%swap3A_495] {strides = array<i32>} : memref<16384xf32, #tpu.memory_space<vmem>>, vector<16xf32>,
        %swap3A_497 = vector.shape_cast %swap3A_496 : vector<16xf32> to vector<16xf32>
        %swap3A_498 = vector.shape_cast %mul3A_494 : vector<16xf32> to vector<16xf32>
        tpu.vector_store %arg12[%swap3A_495], %swap3A_498 {strides = array<i32>} : memref<16384xf32, #tpu.memory_space<vmem>>, vector<16xf32>,
        %mul3A_499 = arith.constant 16 : i32
        %mul3A_500 = arith.muli %scan3A_470, %mul3A_499 : i32
        %add3A_501 = arith.constant 4096 : i32
        %add3A_502 = arith.addi %add3A_501, %mul3A_500 : i32
        %get3A_503 = arith.index_cast %add3A_502 : i32 to index
        %get3A_504 = tpu.vector_load %arg12[%get3A_503] {strides = array<i32>} : memref<16384xf32, #tpu.memory_space<vmem>>, vector<16xf32>,
        %get3A_505 = vector.shape_cast %get3A_504 : vector<16xf32> to vector<16xf32>
        %mul3A_506 = arith.mulf %get3A_505, %get3A_475 : vector<16xf32>
        %swap3A_507 = arith.index_cast %add3A_502 : i32 to index
        %swap3A_508 = tpu.vector_load %arg12[%swap3A_507] {strides = array<i32>} : memref<16384xf32, #tpu.memory_space<vmem>>, vector<16xf32>,
        %swap3A_509 = vector.shape_cast %swap3A_508 : vector<16xf32> to vector<16xf32>
        %swap3A_510 = vector.shape_cast %mul3A_506 : vector<16xf32> to vector<16xf32>
        tpu.vector_store %arg12[%swap3A_507], %swap3A_510 {strides = array<i32>} : memref<16384xf32, #tpu.memory_space<vmem>>, vector<16xf32>,
        %mul3A_511 = arith.constant 16 : i32
        %mul3A_512 = arith.muli %scan3A_470, %mul3A_511 : i32
        %add3A_513 = arith.constant 6144 : i32
        %add3A_514 = arith.addi %add3A_513, %mul3A_512 : i32
        %get3A_515 = arith.index_cast %add3A_514 : i32 to index
        %get3A_516 = tpu.vector_load %arg12[%get3A_515] {strides = array<i32>} : memref<16384xf32, #tpu.memory_space<vmem>>, vector<16xf32>,
        %get3A_517 = vector.shape_cast %get3A_516 : vector<16xf32> to vector<16xf32>
        %mul3A_518 = arith.mulf %get3A_517, %get3A_475 : vector<16xf32>
        %swap3A_519 = arith.index_cast %add3A_514 : i32 to index
        %swap3A_520 = tpu.vector_load %arg12[%swap3A_519] {strides = array<i32>} : memref<16384xf32, #tpu.memory_space<vmem>>, vector<16xf32>,
        %swap3A_521 = vector.shape_cast %swap3A_520 : vector<16xf32> to vector<16xf32>
        %swap3A_522 = vector.shape_cast %mul3A_518 : vector<16xf32> to vector<16xf32>
        tpu.vector_store %arg12[%swap3A_519], %swap3A_522 {strides = array<i32>} : memref<16384xf32, #tpu.memory_space<vmem>>, vector<16xf32>,
        %mul3A_523 = arith.constant 16 : i32
        %mul3A_524 = arith.muli %scan3A_470, %mul3A_523 : i32
        %add3A_525 = arith.constant 8192 : i32
        %add3A_526 = arith.addi %add3A_525, %mul3A_524 : i32
        %get3A_527 = arith.index_cast %add3A_526 : i32 to index
        %get3A_528 = tpu.vector_load %arg12[%get3A_527] {strides = array<i32>} : memref<16384xf32, #tpu.memory_space<vmem>>, vector<16xf32>,
        %get3A_529 = vector.shape_cast %get3A_528 : vector<16xf32> to vector<16xf32>
        %mul3A_530 = arith.mulf %get3A_529, %get3A_475 : vector<16xf32>
        %swap3A_531 = arith.index_cast %add3A_526 : i32 to index
        %swap3A_532 = tpu.vector_load %arg12[%swap3A_531] {strides = array<i32>} : memref<16384xf32, #tpu.memory_space<vmem>>, vector<16xf32>,
        %swap3A_533 = vector.shape_cast %swap3A_532 : vector<16xf32> to vector<16xf32>
        %swap3A_534 = vector.shape_cast %mul3A_530 : vector<16xf32> to vector<16xf32>
        tpu.vector_store %arg12[%swap3A_531], %swap3A_534 {strides = array<i32>} : memref<16384xf32, #tpu.memory_space<vmem>>, vector<16xf32>,
        %mul3A_535 = arith.constant 16 : i32
        %mul3A_536 = arith.muli %scan3A_470, %mul3A_535 : i32
        %add3A_537 = arith.constant 10240 : i32
        %add3A_538 = arith.addi %add3A_537, %mul3A_536 : i32
        %get3A_539 = arith.index_cast %add3A_538 : i32 to index
        %get3A_540 = tpu.vector_load %arg12[%get3A_539] {strides = array<i32>} : memref<16384xf32, #tpu.memory_space<vmem>>, vector<16xf32>,
        %get3A_541 = vector.shape_cast %get3A_540 : vector<16xf32> to vector<16xf32>
        %mul3A_542 = arith.mulf %get3A_541, %get3A_475 : vector<16xf32>
        %swap3A_543 = arith.index_cast %add3A_538 : i32 to index
        %swap3A_544 = tpu.vector_load %arg12[%swap3A_543] {strides = array<i32>} : memref<16384xf32, #tpu.memory_space<vmem>>, vector<16xf32>,
        %swap3A_545 = vector.shape_cast %swap3A_544 : vector<16xf32> to vector<16xf32>
        %swap3A_546 = vector.shape_cast %mul3A_542 : vector<16xf32> to vector<16xf32>
        tpu.vector_store %arg12[%swap3A_543], %swap3A_546 {strides = array<i32>} : memref<16384xf32, #tpu.memory_space<vmem>>, vector<16xf32>,
        %mul3A_547 = arith.constant 16 : i32
        %mul3A_548 = arith.muli %scan3A_470, %mul3A_547 : i32
        %add3A_549 = arith.constant 12288 : i32
        %add3A_550 = arith.addi %add3A_549, %mul3A_548 : i32
        %get3A_551 = arith.index_cast %add3A_550 : i32 to index
        %get3A_552 = tpu.vector_load %arg12[%get3A_551] {strides = array<i32>} : memref<16384xf32, #tpu.memory_space<vmem>>, vector<16xf32>,
        %get3A_553 = vector.shape_cast %get3A_552 : vector<16xf32> to vector<16xf32>
        %mul3A_554 = arith.mulf %get3A_553, %get3A_475 : vector<16xf32>
        %swap3A_555 = arith.index_cast %add3A_550 : i32 to index
        %swap3A_556 = tpu.vector_load %arg12[%swap3A_555] {strides = array<i32>} : memref<16384xf32, #tpu.memory_space<vmem>>, vector<16xf32>,
        %swap3A_557 = vector.shape_cast %swap3A_556 : vector<16xf32> to vector<16xf32>
        %swap3A_558 = vector.shape_cast %mul3A_554 : vector<16xf32> to vector<16xf32>
        tpu.vector_store %arg12[%swap3A_555], %swap3A_558 {strides = array<i32>} : memref<16384xf32, #tpu.memory_space<vmem>>, vector<16xf32>,
        %mul3A_559 = arith.constant 16 : i32
        %mul3A_560 = arith.muli %scan3A_470, %mul3A_559 : i32
        %add3A_561 = arith.constant 14336 : i32
        %add3A_562 = arith.addi %add3A_561, %mul3A_560 : i32
        %get3A_563 = arith.index_cast %add3A_562 : i32 to index
        %get3A_564 = tpu.vector_load %arg12[%get3A_563] {strides = array<i32>} : memref<16384xf32, #tpu.memory_space<vmem>>, vector<16xf32>,
        %get3A_565 = vector.shape_cast %get3A_564 : vector<16xf32> to vector<16xf32>
        %mul3A_566 = arith.mulf %get3A_565, %get3A_475 : vector<16xf32>
        %swap3A_567 = arith.index_cast %add3A_562 : i32 to index
        %swap3A_568 = tpu.vector_load %arg12[%swap3A_567] {strides = array<i32>} : memref<16384xf32, #tpu.memory_space<vmem>>, vector<16xf32>,
        %swap3A_569 = vector.shape_cast %swap3A_568 : vector<16xf32> to vector<16xf32>
        %swap3A_570 = vector.shape_cast %mul3A_566 : vector<16xf32> to vector<16xf32>
        tpu.vector_store %arg12[%swap3A_567], %swap3A_570 {strides = array<i32>} : memref<16384xf32, #tpu.memory_space<vmem>>, vector<16xf32>,
        %scan3A_571 = arith.constant 0 : i32
        scf.yield %scan3A_571 : i32
      }
      %scan3A_221 = arith.constant 128 : i32
      %dma_start3A_222 = arith.constant 0 : i32
      %dma_start3A_223 = tpu.memref_slice %arg12[%dma_start3A_222] : memref<16384xf32, #tpu.memory_space<vmem>> -> memref<2048xf32, #tpu.memory_space<vmem>>
      %dma_start3A_224 = arith.constant 0 : i32
      %dma_start3A_225 = tpu.memref_slice %arg7[%dma_start3A_224] : memref<802816xf32, #tpu.memory_space<vmem_shared>> -> memref<100352xf32, #tpu.memory_space<vmem_shared>>
      %dma_start3A_226 = arith.constant 0 : i32
      %dma_start3A_227 = tpu.memref_slice %dma_start3A_225[%dma_start3A_226] : memref<100352xf32, #tpu.memory_space<vmem_shared>> -> memref<100352xf32, #tpu.memory_space<vmem_shared>>
      tpu.enqueue_indirect_dma source(%dma_start3A_223 : memref<2048xf32, #tpu.memory_space<vmem>>) target(%dma_start3A_227 : memref<100352xf32, #tpu.memory_space<vmem_shared>>) offsets(%arg10 : memref<2048xi32, #tpu.memory_space<vmem>>) semaphore(%arg19 : memref<!tpu.dma_semaphore, #tpu.memory_space<semaphore_mem>>) {add = true}
      %dma_start3A_228 = arith.constant 2048 : i32
      %dma_start3A_229 = tpu.memref_slice %arg12[%dma_start3A_228] : memref<16384xf32, #tpu.memory_space<vmem>> -> memref<2048xf32, #tpu.memory_space<vmem>>
      %dma_start3A_230 = arith.constant 100352 : i32
      %dma_start3A_231 = tpu.memref_slice %arg7[%dma_start3A_230] : memref<802816xf32, #tpu.memory_space<vmem_shared>> -> memref<100352xf32, #tpu.memory_space<vmem_shared>>
      %dma_start3A_232 = arith.constant 0 : i32
      %dma_start3A_233 = tpu.memref_slice %dma_start3A_231[%dma_start3A_232] : memref<100352xf32, #tpu.memory_space<vmem_shared>> -> memref<100352xf32, #tpu.memory_space<vmem_shared>>
      tpu.enqueue_indirect_dma source(%dma_start3A_229 : memref<2048xf32, #tpu.memory_space<vmem>>) target(%dma_start3A_233 : memref<100352xf32, #tpu.memory_space<vmem_shared>>) offsets(%arg10 : memref<2048xi32, #tpu.memory_space<vmem>>) semaphore(%arg19 : memref<!tpu.dma_semaphore, #tpu.memory_space<semaphore_mem>>) {add = true}
      %dma_start3A_234 = arith.constant 4096 : i32
      %dma_start3A_235 = tpu.memref_slice %arg12[%dma_start3A_234] : memref<16384xf32, #tpu.memory_space<vmem>> -> memref<2048xf32, #tpu.memory_space<vmem>>
      %dma_start3A_236 = arith.constant 200704 : i32
      %dma_start3A_237 = tpu.memref_slice %arg7[%dma_start3A_236] : memref<802816xf32, #tpu.memory_space<vmem_shared>> -> memref<100352xf32, #tpu.memory_space<vmem_shared>>
      %dma_start3A_238 = arith.constant 0 : i32
      %dma_start3A_239 = tpu.memref_slice %dma_start3A_237[%dma_start3A_238] : memref<100352xf32, #tpu.memory_space<vmem_shared>> -> memref<100352xf32, #tpu.memory_space<vmem_shared>>
      tpu.enqueue_indirect_dma source(%dma_start3A_235 : memref<2048xf32, #tpu.memory_space<vmem>>) target(%dma_start3A_239 : memref<100352xf32, #tpu.memory_space<vmem_shared>>) offsets(%arg10 : memref<2048xi32, #tpu.memory_space<vmem>>) semaphore(%arg19 : memref<!tpu.dma_semaphore, #tpu.memory_space<semaphore_mem>>) {add = true}
      %dma_start3A_240 = arith.constant 6144 : i32
      %dma_start3A_241 = tpu.memref_slice %arg12[%dma_start3A_240] : memref<16384xf32, #tpu.memory_space<vmem>> -> memref<2048xf32, #tpu.memory_space<vmem>>
      %dma_start3A_242 = arith.constant 301056 : i32
      %dma_start3A_243 = tpu.memref_slice %arg7[%dma_start3A_242] : memref<802816xf32, #tpu.memory_space<vmem_shared>> -> memref<100352xf32, #tpu.memory_space<vmem_shared>>
      %dma_start3A_244 = arith.constant 0 : i32
      %dma_start3A_245 = tpu.memref_slice %dma_start3A_243[%dma_start3A_244] : memref<100352xf32, #tpu.memory_space<vmem_shared>> -> memref<100352xf32, #tpu.memory_space<vmem_shared>>
      tpu.enqueue_indirect_dma source(%dma_start3A_241 : memref<2048xf32, #tpu.memory_space<vmem>>) target(%dma_start3A_245 : memref<100352xf32, #tpu.memory_space<vmem_shared>>) offsets(%arg10 : memref<2048xi32, #tpu.memory_space<vmem>>) semaphore(%arg19 : memref<!tpu.dma_semaphore, #tpu.memory_space<semaphore_mem>>) {add = true}
      %dma_start3A_246 = arith.constant 8192 : i32
      %dma_start3A_247 = tpu.memref_slice %arg12[%dma_start3A_246] : memref<16384xf32, #tpu.memory_space<vmem>> -> memref<2048xf32, #tpu.memory_space<vmem>>
      %dma_start3A_248 = arith.constant 401408 : i32
      %dma_start3A_249 = tpu.memref_slice %arg7[%dma_start3A_248] : memref<802816xf32, #tpu.memory_space<vmem_shared>> -> memref<100352xf32, #tpu.memory_space<vmem_shared>>
      %dma_start3A_250 = arith.constant 0 : i32
      %dma_start3A_251 = tpu.memref_slice %dma_start3A_249[%dma_start3A_250] : memref<100352xf32, #tpu.memory_space<vmem_shared>> -> memref<100352xf32, #tpu.memory_space<vmem_shared>>
      tpu.enqueue_indirect_dma source(%dma_start3A_247 : memref<2048xf32, #tpu.memory_space<vmem>>) target(%dma_start3A_251 : memref<100352xf32, #tpu.memory_space<vmem_shared>>) offsets(%arg10 : memref<2048xi32, #tpu.memory_space<vmem>>) semaphore(%arg19 : memref<!tpu.dma_semaphore, #tpu.memory_space<semaphore_mem>>) {add = true}
      %dma_start3A_252 = arith.constant 10240 : i32
      %dma_start3A_253 = tpu.memref_slice %arg12[%dma_start3A_252] : memref<16384xf32, #tpu.memory_space<vmem>> -> memref<2048xf32, #tpu.memory_space<vmem>>
      %dma_start3A_254 = arith.constant 501760 : i32
      %dma_start3A_255 = tpu.memref_slice %arg7[%dma_start3A_254] : memref<802816xf32, #tpu.memory_space<vmem_shared>> -> memref<100352xf32, #tpu.memory_space<vmem_shared>>
      %dma_start3A_256 = arith.constant 0 : i32
      %dma_start3A_257 = tpu.memref_slice %dma_start3A_255[%dma_start3A_256] : memref<100352xf32, #tpu.memory_space<vmem_shared>> -> memref<100352xf32, #tpu.memory_space<vmem_shared>>
      tpu.enqueue_indirect_dma source(%dma_start3A_253 : memref<2048xf32, #tpu.memory_space<vmem>>) target(%dma_start3A_257 : memref<100352xf32, #tpu.memory_space<vmem_shared>>) offsets(%arg10 : memref<2048xi32, #tpu.memory_space<vmem>>) semaphore(%arg19 : memref<!tpu.dma_semaphore, #tpu.memory_space<semaphore_mem>>) {add = true}
      %dma_start3A_258 = arith.constant 12288 : i32
      %dma_start3A_259 = tpu.memref_slice %arg12[%dma_start3A_258] : memref<16384xf32, #tpu.memory_space<vmem>> -> memref<2048xf32, #tpu.memory_space<vmem>>
      %dma_start3A_260 = arith.constant 602112 : i32
      %dma_start3A_261 = tpu.memref_slice %arg7[%dma_start3A_260] : memref<802816xf32, #tpu.memory_space<vmem_shared>> -> memref<100352xf32, #tpu.memory_space<vmem_shared>>
      %dma_start3A_262 = arith.constant 0 : i32
      %dma_start3A_263 = tpu.memref_slice %dma_start3A_261[%dma_start3A_262] : memref<100352xf32, #tpu.memory_space<vmem_shared>> -> memref<100352xf32, #tpu.memory_space<vmem_shared>>
      tpu.enqueue_indirect_dma source(%dma_start3A_259 : memref<2048xf32, #tpu.memory_space<vmem>>) target(%dma_start3A_263 : memref<100352xf32, #tpu.memory_space<vmem_shared>>) offsets(%arg10 : memref<2048xi32, #tpu.memory_space<vmem>>) semaphore(%arg19 : memref<!tpu.dma_semaphore, #tpu.memory_space<semaphore_mem>>) {add = true}
      %dma_start3A_264 = arith.constant 14336 : i32
      %dma_start3A_265 = tpu.memref_slice %arg12[%dma_start3A_264] : memref<16384xf32, #tpu.memory_space<vmem>> -> memref<2048xf32, #tpu.memory_space<vmem>>
      %dma_start3A_266 = arith.constant 702464 : i32
      %dma_start3A_267 = tpu.memref_slice %arg7[%dma_start3A_266] : memref<802816xf32, #tpu.memory_space<vmem_shared>> -> memref<100352xf32, #tpu.memory_space<vmem_shared>>
      %dma_start3A_268 = arith.constant 0 : i32
      %dma_start3A_269 = tpu.memref_slice %dma_start3A_267[%dma_start3A_268] : memref<100352xf32, #tpu.memory_space<vmem_shared>> -> memref<100352xf32, #tpu.memory_space<vmem_shared>>
      tpu.enqueue_indirect_dma source(%dma_start3A_265 : memref<2048xf32, #tpu.memory_space<vmem>>) target(%dma_start3A_269 : memref<100352xf32, #tpu.memory_space<vmem_shared>>) offsets(%arg10 : memref<2048xi32, #tpu.memory_space<vmem>>) semaphore(%arg19 : memref<!tpu.dma_semaphore, #tpu.memory_space<semaphore_mem>>) {add = true}
      %dma_wait3A_270 = arith.constant 0 : i32
      %dma_wait3A_271 = tpu.memref_slice %arg16[%dma_wait3A_270] : memref<16384xf32, #tpu.memory_space<vmem>> -> memref<2048xf32, #tpu.memory_space<vmem>>
      %dma_wait3A_272 = arith.constant 0 : i32
      %dma_wait3A_273 = tpu.memref_slice %arg5[%dma_wait3A_272] : memref<1605632xf32, #tpu.memory_space<hbm>> -> memref<100352xf32, #tpu.memory_space<hbm>>
      %dma_wait3A_274 = arith.constant 0 : i32
      %dma_wait3A_275 = tpu.memref_slice %dma_wait3A_273[%dma_wait3A_274] : memref<100352xf32, #tpu.memory_space<hbm>> -> memref<100352xf32, #tpu.memory_space<hbm>>
      tpu.wait_indirect_dma semaphore(%arg18 : memref<!tpu.dma_semaphore, #tpu.memory_space<semaphore_mem>>) src(%dma_wait3A_275 : memref<100352xf32, #tpu.memory_space<hbm>>) dst(%dma_wait3A_271 : memref<2048xf32, #tpu.memory_space<vmem>>)
      %dma_wait3A_276 = arith.constant 2048 : i32
      %dma_wait3A_277 = tpu.memref_slice %arg16[%dma_wait3A_276] : memref<16384xf32, #tpu.memory_space<vmem>> -> memref<2048xf32, #tpu.memory_space<vmem>>
      %dma_wait3A_278 = arith.constant 100352 : i32
      %dma_wait3A_279 = tpu.memref_slice %arg5[%dma_wait3A_278] : memref<1605632xf32, #tpu.memory_space<hbm>> -> memref<100352xf32, #tpu.memory_space<hbm>>
      %dma_wait3A_280 = arith.constant 0 : i32
      %dma_wait3A_281 = tpu.memref_slice %dma_wait3A_279[%dma_wait3A_280] : memref<100352xf32, #tpu.memory_space<hbm>> -> memref<100352xf32, #tpu.memory_space<hbm>>
      tpu.wait_indirect_dma semaphore(%arg18 : memref<!tpu.dma_semaphore, #tpu.memory_space<semaphore_mem>>) src(%dma_wait3A_281 : memref<100352xf32, #tpu.memory_space<hbm>>) dst(%dma_wait3A_277 : memref<2048xf32, #tpu.memory_space<vmem>>)
      %dma_wait3A_282 = arith.constant 4096 : i32
      %dma_wait3A_283 = tpu.memref_slice %arg16[%dma_wait3A_282] : memref<16384xf32, #tpu.memory_space<vmem>> -> memref<2048xf32, #tpu.memory_space<vmem>>
      %dma_wait3A_284 = arith.constant 200704 : i32
      %dma_wait3A_285 = tpu.memref_slice %arg5[%dma_wait3A_284] : memref<1605632xf32, #tpu.memory_space<hbm>> -> memref<100352xf32, #tpu.memory_space<hbm>>
      %dma_wait3A_286 = arith.constant 0 : i32
      %dma_wait3A_287 = tpu.memref_slice %dma_wait3A_285[%dma_wait3A_286] : memref<100352xf32, #tpu.memory_space<hbm>> -> memref<100352xf32, #tpu.memory_space<hbm>>
      tpu.wait_indirect_dma semaphore(%arg18 : memref<!tpu.dma_semaphore, #tpu.memory_space<semaphore_mem>>) src(%dma_wait3A_287 : memref<100352xf32, #tpu.memory_space<hbm>>) dst(%dma_wait3A_283 : memref<2048xf32, #tpu.memory_space<vmem>>)
      %dma_wait3A_288 = arith.constant 6144 : i32
      %dma_wait3A_289 = tpu.memref_slice %arg16[%dma_wait3A_288] : memref<16384xf32, #tpu.memory_space<vmem>> -> memref<2048xf32, #tpu.memory_space<vmem>>
      %dma_wait3A_290 = arith.constant 301056 : i32
      %dma_wait3A_291 = tpu.memref_slice %arg5[%dma_wait3A_290] : memref<1605632xf32, #tpu.memory_space<hbm>> -> memref<100352xf32, #tpu.memory_space<hbm>>
      %dma_wait3A_292 = arith.constant 0 : i32
      %dma_wait3A_293 = tpu.memref_slice %dma_wait3A_291[%dma_wait3A_292] : memref<100352xf32, #tpu.memory_space<hbm>> -> memref<100352xf32, #tpu.memory_space<hbm>>
      tpu.wait_indirect_dma semaphore(%arg18 : memref<!tpu.dma_semaphore, #tpu.memory_space<semaphore_mem>>) src(%dma_wait3A_293 : memref<100352xf32, #tpu.memory_space<hbm>>) dst(%dma_wait3A_289 : memref<2048xf32, #tpu.memory_space<vmem>>)
      %dma_wait3A_294 = arith.constant 8192 : i32
      %dma_wait3A_295 = tpu.memref_slice %arg16[%dma_wait3A_294] : memref<16384xf32, #tpu.memory_space<vmem>> -> memref<2048xf32, #tpu.memory_space<vmem>>
      %dma_wait3A_296 = arith.constant 401408 : i32
      %dma_wait3A_297 = tpu.memref_slice %arg5[%dma_wait3A_296] : memref<1605632xf32, #tpu.memory_space<hbm>> -> memref<100352xf32, #tpu.memory_space<hbm>>
      %dma_wait3A_298 = arith.constant 0 : i32
      %dma_wait3A_299 = tpu.memref_slice %dma_wait3A_297[%dma_wait3A_298] : memref<100352xf32, #tpu.memory_space<hbm>> -> memref<100352xf32, #tpu.memory_space<hbm>>
      tpu.wait_indirect_dma semaphore(%arg18 : memref<!tpu.dma_semaphore, #tpu.memory_space<semaphore_mem>>) src(%dma_wait3A_299 : memref<100352xf32, #tpu.memory_space<hbm>>) dst(%dma_wait3A_295 : memref<2048xf32, #tpu.memory_space<vmem>>)
      %dma_wait3A_300 = arith.constant 10240 : i32
      %dma_wait3A_301 = tpu.memref_slice %arg16[%dma_wait3A_300] : memref<16384xf32, #tpu.memory_space<vmem>> -> memref<2048xf32, #tpu.memory_space<vmem>>
      %dma_wait3A_302 = arith.constant 501760 : i32
      %dma_wait3A_303 = tpu.memref_slice %arg5[%dma_wait3A_302] : memref<1605632xf32, #tpu.memory_space<hbm>> -> memref<100352xf32, #tpu.memory_space<hbm>>
      %dma_wait3A_304 = arith.constant 0 : i32
      %dma_wait3A_305 = tpu.memref_slice %dma_wait3A_303[%dma_wait3A_304] : memref<100352xf32, #tpu.memory_space<hbm>> -> memref<100352xf32, #tpu.memory_space<hbm>>
      tpu.wait_indirect_dma semaphore(%arg18 : memref<!tpu.dma_semaphore, #tpu.memory_space<semaphore_mem>>) src(%dma_wait3A_305 : memref<100352xf32, #tpu.memory_space<hbm>>) dst(%dma_wait3A_301 : memref<2048xf32, #tpu.memory_space<vmem>>)
      %dma_wait3A_306 = arith.constant 12288 : i32
      %dma_wait3A_307 = tpu.memref_slice %arg16[%dma_wait3A_306] : memref<16384xf32, #tpu.memory_space<vmem>> -> memref<2048xf32, #tpu.memory_space<vmem>>
      %dma_wait3A_308 = arith.constant 602112 : i32
      %dma_wait3A_309 = tpu.memref_slice %arg5[%dma_wait3A_308] : memref<1605632xf32, #tpu.memory_space<hbm>> -> memref<100352xf32, #tpu.memory_space<hbm>>
      %dma_wait3A_310 = arith.constant 0 : i32
      %dma_wait3A_311 = tpu.memref_slice %dma_wait3A_309[%dma_wait3A_310] : memref<100352xf32, #tpu.memory_space<hbm>> -> memref<100352xf32, #tpu.memory_space<hbm>>
      tpu.wait_indirect_dma semaphore(%arg18 : memref<!tpu.dma_semaphore, #tpu.memory_space<semaphore_mem>>) src(%dma_wait3A_311 : memref<100352xf32, #tpu.memory_space<hbm>>) dst(%dma_wait3A_307 : memref<2048xf32, #tpu.memory_space<vmem>>)
      %dma_wait3A_312 = arith.constant 14336 : i32
      %dma_wait3A_313 = tpu.memref_slice %arg16[%dma_wait3A_312] : memref<16384xf32, #tpu.memory_space<vmem>> -> memref<2048xf32, #tpu.memory_space<vmem>>
      %dma_wait3A_314 = arith.constant 702464 : i32
      %dma_wait3A_315 = tpu.memref_slice %arg5[%dma_wait3A_314] : memref<1605632xf32, #tpu.memory_space<hbm>> -> memref<100352xf32, #tpu.memory_space<hbm>>
      %dma_wait3A_316 = arith.constant 0 : i32
      %dma_wait3A_317 = tpu.memref_slice %dma_wait3A_315[%dma_wait3A_316] : memref<100352xf32, #tpu.memory_space<hbm>> -> memref<100352xf32, #tpu.memory_space<hbm>>
      tpu.wait_indirect_dma semaphore(%arg18 : memref<!tpu.dma_semaphore, #tpu.memory_space<semaphore_mem>>) src(%dma_wait3A_317 : memref<100352xf32, #tpu.memory_space<hbm>>) dst(%dma_wait3A_313 : memref<2048xf32, #tpu.memory_space<vmem>>)
      %scan3A_318 = arith.constant 0 : i32
      %scan3A_319 = arith.constant 0 : i32
      %scan3A_320 = arith.constant 128 : i32
      %scan3A_321 = arith.addi %scan3A_319, %scan3A_320 : i32
      %scan3A_322 = arith.constant 1 : i32
      %scan3A_323 = scf.for %scan3A_470 = %scan3A_319 to %scan3A_321 step %scan3A_322 iter_args(%scan3A_471 = %scan3A_318) -> (i32)  : i32 {
        %mul3A_472 = arith.constant 16 : i32
        %mul3A_473 = arith.muli %scan3A_470, %mul3A_472 : i32
        %get3A = arith.index_cast %mul3A_473 : i32 to index
        %get3A_474 = tpu.vector_load %arg15[%get3A] {strides = array<i32>} : memref<2048xf32, #tpu.memory_space<vmem>>, vector<16xf32>,
        %get3A_475 = vector.shape_cast %get3A_474 : vector<16xf32> to vector<16xf32>
        %mul3A_476 = arith.constant 16 : i32
        %mul3A_477 = arith.muli %scan3A_470, %mul3A_476 : i32
        %add3A_478 = arith.constant 0 : i32
        %add3A_479 = arith.addi %add3A_478, %mul3A_477 : i32
        %get3A_480 = arith.index_cast %add3A_479 : i32 to index
        %get3A_481 = tpu.vector_load %arg16[%get3A_480] {strides = array<i32>} : memref<16384xf32, #tpu.memory_space<vmem>>, vector<16xf32>,
        %get3A_482 = vector.shape_cast %get3A_481 : vector<16xf32> to vector<16xf32>
        %mul3A_483 = arith.mulf %get3A_482, %get3A_475 : vector<16xf32>
        %swap3A = arith.index_cast %add3A_479 : i32 to index
        %swap3A_484 = tpu.vector_load %arg16[%swap3A] {strides = array<i32>} : memref<16384xf32, #tpu.memory_space<vmem>>, vector<16xf32>,
        %swap3A_485 = vector.shape_cast %swap3A_484 : vector<16xf32> to vector<16xf32>
        %swap3A_486 = vector.shape_cast %mul3A_483 : vector<16xf32> to vector<16xf32>
        tpu.vector_store %arg16[%swap3A], %swap3A_486 {strides = array<i32>} : memref<16384xf32, #tpu.memory_space<vmem>>, vector<16xf32>,
        %mul3A_487 = arith.constant 16 : i32
        %mul3A_488 = arith.muli %scan3A_470, %mul3A_487 : i32
        %add3A_489 = arith.constant 2048 : i32
        %add3A_490 = arith.addi %add3A_489, %mul3A_488 : i32
        %get3A_491 = arith.index_cast %add3A_490 : i32 to index
        %get3A_492 = tpu.vector_load %arg16[%get3A_491] {strides = array<i32>} : memref<16384xf32, #tpu.memory_space<vmem>>, vector<16xf32>,
        %get3A_493 = vector.shape_cast %get3A_492 : vector<16xf32> to vector<16xf32>
        %mul3A_494 = arith.mulf %get3A_493, %get3A_475 : vector<16xf32>
        %swap3A_495 = arith.index_cast %add3A_490 : i32 to index
        %swap3A_496 = tpu.vector_load %arg16[%swap3A_495] {strides = array<i32>} : memref<16384xf32, #tpu.memory_space<vmem>>, vector<16xf32>,
        %swap3A_497 = vector.shape_cast %swap3A_496 : vector<16xf32> to vector<16xf32>
        %swap3A_498 = vector.shape_cast %mul3A_494 : vector<16xf32> to vector<16xf32>
        tpu.vector_store %arg16[%swap3A_495], %swap3A_498 {strides = array<i32>} : memref<16384xf32, #tpu.memory_space<vmem>>, vector<16xf32>,
        %mul3A_499 = arith.constant 16 : i32
        %mul3A_500 = arith.muli %scan3A_470, %mul3A_499 : i32
        %add3A_501 = arith.constant 4096 : i32
        %add3A_502 = arith.addi %add3A_501, %mul3A_500 : i32
        %get3A_503 = arith.index_cast %add3A_502 : i32 to index
        %get3A_504 = tpu.vector_load %arg16[%get3A_503] {strides = array<i32>} : memref<16384xf32, #tpu.memory_space<vmem>>, vector<16xf32>,
        %get3A_505 = vector.shape_cast %get3A_504 : vector<16xf32> to vector<16xf32>
        %mul3A_506 = arith.mulf %get3A_505, %get3A_475 : vector<16xf32>
        %swap3A_507 = arith.index_cast %add3A_502 : i32 to index
        %swap3A_508 = tpu.vector_load %arg16[%swap3A_507] {strides = array<i32>} : memref<16384xf32, #tpu.memory_space<vmem>>, vector<16xf32>,
        %swap3A_509 = vector.shape_cast %swap3A_508 : vector<16xf32> to vector<16xf32>
        %swap3A_510 = vector.shape_cast %mul3A_506 : vector<16xf32> to vector<16xf32>
        tpu.vector_store %arg16[%swap3A_507], %swap3A_510 {strides = array<i32>} : memref<16384xf32, #tpu.memory_space<vmem>>, vector<16xf32>,
        %mul3A_511 = arith.constant 16 : i32
        %mul3A_512 = arith.muli %scan3A_470, %mul3A_511 : i32
        %add3A_513 = arith.constant 6144 : i32
        %add3A_514 = arith.addi %add3A_513, %mul3A_512 : i32
        %get3A_515 = arith.index_cast %add3A_514 : i32 to index
        %get3A_516 = tpu.vector_load %arg16[%get3A_515] {strides = array<i32>} : memref<16384xf32, #tpu.memory_space<vmem>>, vector<16xf32>,
        %get3A_517 = vector.shape_cast %get3A_516 : vector<16xf32> to vector<16xf32>
        %mul3A_518 = arith.mulf %get3A_517, %get3A_475 : vector<16xf32>
        %swap3A_519 = arith.index_cast %add3A_514 : i32 to index
        %swap3A_520 = tpu.vector_load %arg16[%swap3A_519] {strides = array<i32>} : memref<16384xf32, #tpu.memory_space<vmem>>, vector<16xf32>,
        %swap3A_521 = vector.shape_cast %swap3A_520 : vector<16xf32> to vector<16xf32>
        %swap3A_522 = vector.shape_cast %mul3A_518 : vector<16xf32> to vector<16xf32>
        tpu.vector_store %arg16[%swap3A_519], %swap3A_522 {strides = array<i32>} : memref<16384xf32, #tpu.memory_space<vmem>>, vector<16xf32>,
        %mul3A_523 = arith.constant 16 : i32
        %mul3A_524 = arith.muli %scan3A_470, %mul3A_523 : i32
        %add3A_525 = arith.constant 8192 : i32
        %add3A_526 = arith.addi %add3A_525, %mul3A_524 : i32
        %get3A_527 = arith.index_cast %add3A_526 : i32 to index
        %get3A_528 = tpu.vector_load %arg16[%get3A_527] {strides = array<i32>} : memref<16384xf32, #tpu.memory_space<vmem>>, vector<16xf32>,
        %get3A_529 = vector.shape_cast %get3A_528 : vector<16xf32> to vector<16xf32>
        %mul3A_530 = arith.mulf %get3A_529, %get3A_475 : vector<16xf32>
        %swap3A_531 = arith.index_cast %add3A_526 : i32 to index
        %swap3A_532 = tpu.vector_load %arg16[%swap3A_531] {strides = array<i32>} : memref<16384xf32, #tpu.memory_space<vmem>>, vector<16xf32>,
        %swap3A_533 = vector.shape_cast %swap3A_532 : vector<16xf32> to vector<16xf32>
        %swap3A_534 = vector.shape_cast %mul3A_530 : vector<16xf32> to vector<16xf32>
        tpu.vector_store %arg16[%swap3A_531], %swap3A_534 {strides = array<i32>} : memref<16384xf32, #tpu.memory_space<vmem>>, vector<16xf32>,
        %mul3A_535 = arith.constant 16 : i32
        %mul3A_536 = arith.muli %scan3A_470, %mul3A_535 : i32
        %add3A_537 = arith.constant 10240 : i32
        %add3A_538 = arith.addi %add3A_537, %mul3A_536 : i32
        %get3A_539 = arith.index_cast %add3A_538 : i32 to index
        %get3A_540 = tpu.vector_load %arg16[%get3A_539] {strides = array<i32>} : memref<16384xf32, #tpu.memory_space<vmem>>, vector<16xf32>,
        %get3A_541 = vector.shape_cast %get3A_540 : vector<16xf32> to vector<16xf32>
        %mul3A_542 = arith.mulf %get3A_541, %get3A_475 : vector<16xf32>
        %swap3A_543 = arith.index_cast %add3A_538 : i32 to index
        %swap3A_544 = tpu.vector_load %arg16[%swap3A_543] {strides = array<i32>} : memref<16384xf32, #tpu.memory_space<vmem>>, vector<16xf32>,
        %swap3A_545 = vector.shape_cast %swap3A_544 : vector<16xf32> to vector<16xf32>
        %swap3A_546 = vector.shape_cast %mul3A_542 : vector<16xf32> to vector<16xf32>
        tpu.vector_store %arg16[%swap3A_543], %swap3A_546 {strides = array<i32>} : memref<16384xf32, #tpu.memory_space<vmem>>, vector<16xf32>,
        %mul3A_547 = arith.constant 16 : i32
        %mul3A_548 = arith.muli %scan3A_470, %mul3A_547 : i32
        %add3A_549 = arith.constant 12288 : i32
        %add3A_550 = arith.addi %add3A_549, %mul3A_548 : i32
        %get3A_551 = arith.index_cast %add3A_550 : i32 to index
        %get3A_552 = tpu.vector_load %arg16[%get3A_551] {strides = array<i32>} : memref<16384xf32, #tpu.memory_space<vmem>>, vector<16xf32>,
        %get3A_553 = vector.shape_cast %get3A_552 : vector<16xf32> to vector<16xf32>
        %mul3A_554 = arith.mulf %get3A_553, %get3A_475 : vector<16xf32>
        %swap3A_555 = arith.index_cast %add3A_550 : i32 to index
        %swap3A_556 = tpu.vector_load %arg16[%swap3A_555] {strides = array<i32>} : memref<16384xf32, #tpu.memory_space<vmem>>, vector<16xf32>,
        %swap3A_557 = vector.shape_cast %swap3A_556 : vector<16xf32> to vector<16xf32>
        %swap3A_558 = vector.shape_cast %mul3A_554 : vector<16xf32> to vector<16xf32>
        tpu.vector_store %arg16[%swap3A_555], %swap3A_558 {strides = array<i32>} : memref<16384xf32, #tpu.memory_space<vmem>>, vector<16xf32>,
        %mul3A_559 = arith.constant 16 : i32
        %mul3A_560 = arith.muli %scan3A_470, %mul3A_559 : i32
        %add3A_561 = arith.constant 14336 : i32
        %add3A_562 = arith.addi %add3A_561, %mul3A_560 : i32
        %get3A_563 = arith.index_cast %add3A_562 : i32 to index
        %get3A_564 = tpu.vector_load %arg16[%get3A_563] {strides = array<i32>} : memref<16384xf32, #tpu.memory_space<vmem>>, vector<16xf32>,
        %get3A_565 = vector.shape_cast %get3A_564 : vector<16xf32> to vector<16xf32>
        %mul3A_566 = arith.mulf %get3A_565, %get3A_475 : vector<16xf32>
        %swap3A_567 = arith.index_cast %add3A_562 : i32 to index
        %swap3A_568 = tpu.vector_load %arg16[%swap3A_567] {strides = array<i32>} : memref<16384xf32, #tpu.memory_space<vmem>>, vector<16xf32>,
        %swap3A_569 = vector.shape_cast %swap3A_568 : vector<16xf32> to vector<16xf32>
        %swap3A_570 = vector.shape_cast %mul3A_566 : vector<16xf32> to vector<16xf32>
        tpu.vector_store %arg16[%swap3A_567], %swap3A_570 {strides = array<i32>} : memref<16384xf32, #tpu.memory_space<vmem>>, vector<16xf32>,
        %scan3A_571 = arith.constant 0 : i32
        scf.yield %scan3A_571 : i32
      }
      %scan3A_324 = arith.constant 128 : i32
      %dma_start3A_325 = arith.constant 0 : i32
      %dma_start3A_326 = tpu.memref_slice %arg16[%dma_start3A_325] : memref<16384xf32, #tpu.memory_space<vmem>> -> memref<2048xf32, #tpu.memory_space<vmem>>
      %dma_start3A_327 = arith.constant 0 : i32
      %dma_start3A_328 = tpu.memref_slice %arg7[%dma_start3A_327] : memref<802816xf32, #tpu.memory_space<vmem_shared>> -> memref<100352xf32, #tpu.memory_space<vmem_shared>>
      %dma_start3A_329 = arith.constant 0 : i32
      %dma_start3A_330 = tpu.memref_slice %dma_start3A_328[%dma_start3A_329] : memref<100352xf32, #tpu.memory_space<vmem_shared>> -> memref<100352xf32, #tpu.memory_space<vmem_shared>>
      tpu.enqueue_indirect_dma source(%dma_start3A_326 : memref<2048xf32, #tpu.memory_space<vmem>>) target(%dma_start3A_330 : memref<100352xf32, #tpu.memory_space<vmem_shared>>) offsets(%arg14 : memref<2048xi32, #tpu.memory_space<vmem>>) semaphore(%arg20 : memref<!tpu.dma_semaphore, #tpu.memory_space<semaphore_mem>>) {add = true}
      %dma_start3A_331 = arith.constant 2048 : i32
      %dma_start3A_332 = tpu.memref_slice %arg16[%dma_start3A_331] : memref<16384xf32, #tpu.memory_space<vmem>> -> memref<2048xf32, #tpu.memory_space<vmem>>
      %dma_start3A_333 = arith.constant 100352 : i32
      %dma_start3A_334 = tpu.memref_slice %arg7[%dma_start3A_333] : memref<802816xf32, #tpu.memory_space<vmem_shared>> -> memref<100352xf32, #tpu.memory_space<vmem_shared>>
      %dma_start3A_335 = arith.constant 0 : i32
      %dma_start3A_336 = tpu.memref_slice %dma_start3A_334[%dma_start3A_335] : memref<100352xf32, #tpu.memory_space<vmem_shared>> -> memref<100352xf32, #tpu.memory_space<vmem_shared>>
      tpu.enqueue_indirect_dma source(%dma_start3A_332 : memref<2048xf32, #tpu.memory_space<vmem>>) target(%dma_start3A_336 : memref<100352xf32, #tpu.memory_space<vmem_shared>>) offsets(%arg14 : memref<2048xi32, #tpu.memory_space<vmem>>) semaphore(%arg20 : memref<!tpu.dma_semaphore, #tpu.memory_space<semaphore_mem>>) {add = true}
      %dma_start3A_337 = arith.constant 4096 : i32
      %dma_start3A_338 = tpu.memref_slice %arg16[%dma_start3A_337] : memref<16384xf32, #tpu.memory_space<vmem>> -> memref<2048xf32, #tpu.memory_space<vmem>>
      %dma_start3A_339 = arith.constant 200704 : i32
      %dma_start3A_340 = tpu.memref_slice %arg7[%dma_start3A_339] : memref<802816xf32, #tpu.memory_space<vmem_shared>> -> memref<100352xf32, #tpu.memory_space<vmem_shared>>
      %dma_start3A_341 = arith.constant 0 : i32
      %dma_start3A_342 = tpu.memref_slice %dma_start3A_340[%dma_start3A_341] : memref<100352xf32, #tpu.memory_space<vmem_shared>> -> memref<100352xf32, #tpu.memory_space<vmem_shared>>
      tpu.enqueue_indirect_dma source(%dma_start3A_338 : memref<2048xf32, #tpu.memory_space<vmem>>) target(%dma_start3A_342 : memref<100352xf32, #tpu.memory_space<vmem_shared>>) offsets(%arg14 : memref<2048xi32, #tpu.memory_space<vmem>>) semaphore(%arg20 : memref<!tpu.dma_semaphore, #tpu.memory_space<semaphore_mem>>) {add = true}
      %dma_start3A_343 = arith.constant 6144 : i32
      %dma_start3A_344 = tpu.memref_slice %arg16[%dma_start3A_343] : memref<16384xf32, #tpu.memory_space<vmem>> -> memref<2048xf32, #tpu.memory_space<vmem>>
      %dma_start3A_345 = arith.constant 301056 : i32
      %dma_start3A_346 = tpu.memref_slice %arg7[%dma_start3A_345] : memref<802816xf32, #tpu.memory_space<vmem_shared>> -> memref<100352xf32, #tpu.memory_space<vmem_shared>>
      %dma_start3A_347 = arith.constant 0 : i32
      %dma_start3A_348 = tpu.memref_slice %dma_start3A_346[%dma_start3A_347] : memref<100352xf32, #tpu.memory_space<vmem_shared>> -> memref<100352xf32, #tpu.memory_space<vmem_shared>>
      tpu.enqueue_indirect_dma source(%dma_start3A_344 : memref<2048xf32, #tpu.memory_space<vmem>>) target(%dma_start3A_348 : memref<100352xf32, #tpu.memory_space<vmem_shared>>) offsets(%arg14 : memref<2048xi32, #tpu.memory_space<vmem>>) semaphore(%arg20 : memref<!tpu.dma_semaphore, #tpu.memory_space<semaphore_mem>>) {add = true}
      %dma_start3A_349 = arith.constant 8192 : i32
      %dma_start3A_350 = tpu.memref_slice %arg16[%dma_start3A_349] : memref<16384xf32, #tpu.memory_space<vmem>> -> memref<2048xf32, #tpu.memory_space<vmem>>
      %dma_start3A_351 = arith.constant 401408 : i32
      %dma_start3A_352 = tpu.memref_slice %arg7[%dma_start3A_351] : memref<802816xf32, #tpu.memory_space<vmem_shared>> -> memref<100352xf32, #tpu.memory_space<vmem_shared>>
      %dma_start3A_353 = arith.constant 0 : i32
      %dma_start3A_354 = tpu.memref_slice %dma_start3A_352[%dma_start3A_353] : memref<100352xf32, #tpu.memory_space<vmem_shared>> -> memref<100352xf32, #tpu.memory_space<vmem_shared>>
      tpu.enqueue_indirect_dma source(%dma_start3A_350 : memref<2048xf32, #tpu.memory_space<vmem>>) target(%dma_start3A_354 : memref<100352xf32, #tpu.memory_space<vmem_shared>>) offsets(%arg14 : memref<2048xi32, #tpu.memory_space<vmem>>) semaphore(%arg20 : memref<!tpu.dma_semaphore, #tpu.memory_space<semaphore_mem>>) {add = true}
      %dma_start3A_355 = arith.constant 10240 : i32
      %dma_start3A_356 = tpu.memref_slice %arg16[%dma_start3A_355] : memref<16384xf32, #tpu.memory_space<vmem>> -> memref<2048xf32, #tpu.memory_space<vmem>>
      %dma_start3A_357 = arith.constant 501760 : i32
      %dma_start3A_358 = tpu.memref_slice %arg7[%dma_start3A_357] : memref<802816xf32, #tpu.memory_space<vmem_shared>> -> memref<100352xf32, #tpu.memory_space<vmem_shared>>
      %dma_start3A_359 = arith.constant 0 : i32
      %dma_start3A_360 = tpu.memref_slice %dma_start3A_358[%dma_start3A_359] : memref<100352xf32, #tpu.memory_space<vmem_shared>> -> memref<100352xf32, #tpu.memory_space<vmem_shared>>
      tpu.enqueue_indirect_dma source(%dma_start3A_356 : memref<2048xf32, #tpu.memory_space<vmem>>) target(%dma_start3A_360 : memref<100352xf32, #tpu.memory_space<vmem_shared>>) offsets(%arg14 : memref<2048xi32, #tpu.memory_space<vmem>>) semaphore(%arg20 : memref<!tpu.dma_semaphore, #tpu.memory_space<semaphore_mem>>) {add = true}
      %dma_start3A_361 = arith.constant 12288 : i32
      %dma_start3A_362 = tpu.memref_slice %arg16[%dma_start3A_361] : memref<16384xf32, #tpu.memory_space<vmem>> -> memref<2048xf32, #tpu.memory_space<vmem>>
      %dma_start3A_363 = arith.constant 602112 : i32
      %dma_start3A_364 = tpu.memref_slice %arg7[%dma_start3A_363] : memref<802816xf32, #tpu.memory_space<vmem_shared>> -> memref<100352xf32, #tpu.memory_space<vmem_shared>>
      %dma_start3A_365 = arith.constant 0 : i32
      %dma_start3A_366 = tpu.memref_slice %dma_start3A_364[%dma_start3A_365] : memref<100352xf32, #tpu.memory_space<vmem_shared>> -> memref<100352xf32, #tpu.memory_space<vmem_shared>>
      tpu.enqueue_indirect_dma source(%dma_start3A_362 : memref<2048xf32, #tpu.memory_space<vmem>>) target(%dma_start3A_366 : memref<100352xf32, #tpu.memory_space<vmem_shared>>) offsets(%arg14 : memref<2048xi32, #tpu.memory_space<vmem>>) semaphore(%arg20 : memref<!tpu.dma_semaphore, #tpu.memory_space<semaphore_mem>>) {add = true}
      %dma_start3A_367 = arith.constant 14336 : i32
      %dma_start3A_368 = tpu.memref_slice %arg16[%dma_start3A_367] : memref<16384xf32, #tpu.memory_space<vmem>> -> memref<2048xf32, #tpu.memory_space<vmem>>
      %dma_start3A_369 = arith.constant 702464 : i32
      %dma_start3A_370 = tpu.memref_slice %arg7[%dma_start3A_369] : memref<802816xf32, #tpu.memory_space<vmem_shared>> -> memref<100352xf32, #tpu.memory_space<vmem_shared>>
      %dma_start3A_371 = arith.constant 0 : i32
      %dma_start3A_372 = tpu.memref_slice %dma_start3A_370[%dma_start3A_371] : memref<100352xf32, #tpu.memory_space<vmem_shared>> -> memref<100352xf32, #tpu.memory_space<vmem_shared>>
      tpu.enqueue_indirect_dma source(%dma_start3A_368 : memref<2048xf32, #tpu.memory_space<vmem>>) target(%dma_start3A_372 : memref<100352xf32, #tpu.memory_space<vmem_shared>>) offsets(%arg14 : memref<2048xi32, #tpu.memory_space<vmem>>) semaphore(%arg20 : memref<!tpu.dma_semaphore, #tpu.memory_space<semaphore_mem>>) {add = true}
      %dma_wait3A_373 = arith.constant 0 : i32
      %dma_wait3A_374 = tpu.memref_slice %arg12[%dma_wait3A_373] : memref<16384xf32, #tpu.memory_space<vmem>> -> memref<2048xf32, #tpu.memory_space<vmem>>
      %dma_wait3A_375 = arith.constant 0 : i32
      %dma_wait3A_376 = tpu.memref_slice %arg7[%dma_wait3A_375] : memref<802816xf32, #tpu.memory_space<vmem_shared>> -> memref<100352xf32, #tpu.memory_space<vmem_shared>>
      %dma_wait3A_377 = arith.constant 0 : i32
      %dma_wait3A_378 = tpu.memref_slice %dma_wait3A_376[%dma_wait3A_377] : memref<100352xf32, #tpu.memory_space<vmem_shared>> -> memref<100352xf32, #tpu.memory_space<vmem_shared>>
      tpu.wait_indirect_dma semaphore(%arg19 : memref<!tpu.dma_semaphore, #tpu.memory_space<semaphore_mem>>) src(%dma_wait3A_374 : memref<2048xf32, #tpu.memory_space<vmem>>) dst(%dma_wait3A_378 : memref<100352xf32, #tpu.memory_space<vmem_shared>>)
      %dma_wait3A_379 = arith.constant 2048 : i32
      %dma_wait3A_380 = tpu.memref_slice %arg12[%dma_wait3A_379] : memref<16384xf32, #tpu.memory_space<vmem>> -> memref<2048xf32, #tpu.memory_space<vmem>>
      %dma_wait3A_381 = arith.constant 100352 : i32
      %dma_wait3A_382 = tpu.memref_slice %arg7[%dma_wait3A_381] : memref<802816xf32, #tpu.memory_space<vmem_shared>> -> memref<100352xf32, #tpu.memory_space<vmem_shared>>
      %dma_wait3A_383 = arith.constant 0 : i32
      %dma_wait3A_384 = tpu.memref_slice %dma_wait3A_382[%dma_wait3A_383] : memref<100352xf32, #tpu.memory_space<vmem_shared>> -> memref<100352xf32, #tpu.memory_space<vmem_shared>>
      tpu.wait_indirect_dma semaphore(%arg19 : memref<!tpu.dma_semaphore, #tpu.memory_space<semaphore_mem>>) src(%dma_wait3A_380 : memref<2048xf32, #tpu.memory_space<vmem>>) dst(%dma_wait3A_384 : memref<100352xf32, #tpu.memory_space<vmem_shared>>)
      %dma_wait3A_385 = arith.constant 4096 : i32
      %dma_wait3A_386 = tpu.memref_slice %arg12[%dma_wait3A_385] : memref<16384xf32, #tpu.memory_space<vmem>> -> memref<2048xf32, #tpu.memory_space<vmem>>
      %dma_wait3A_387 = arith.constant 200704 : i32
      %dma_wait3A_388 = tpu.memref_slice %arg7[%dma_wait3A_387] : memref<802816xf32, #tpu.memory_space<vmem_shared>> -> memref<100352xf32, #tpu.memory_space<vmem_shared>>
      %dma_wait3A_389 = arith.constant 0 : i32
      %dma_wait3A_390 = tpu.memref_slice %dma_wait3A_388[%dma_wait3A_389] : memref<100352xf32, #tpu.memory_space<vmem_shared>> -> memref<100352xf32, #tpu.memory_space<vmem_shared>>
      tpu.wait_indirect_dma semaphore(%arg19 : memref<!tpu.dma_semaphore, #tpu.memory_space<semaphore_mem>>) src(%dma_wait3A_386 : memref<2048xf32, #tpu.memory_space<vmem>>) dst(%dma_wait3A_390 : memref<100352xf32, #tpu.memory_space<vmem_shared>>)
      %dma_wait3A_391 = arith.constant 6144 : i32
      %dma_wait3A_392 = tpu.memref_slice %arg12[%dma_wait3A_391] : memref<16384xf32, #tpu.memory_space<vmem>> -> memref<2048xf32, #tpu.memory_space<vmem>>
      %dma_wait3A_393 = arith.constant 301056 : i32
      %dma_wait3A_394 = tpu.memref_slice %arg7[%dma_wait3A_393] : memref<802816xf32, #tpu.memory_space<vmem_shared>> -> memref<100352xf32, #tpu.memory_space<vmem_shared>>
      %dma_wait3A_395 = arith.constant 0 : i32
      %dma_wait3A_396 = tpu.memref_slice %dma_wait3A_394[%dma_wait3A_395] : memref<100352xf32, #tpu.memory_space<vmem_shared>> -> memref<100352xf32, #tpu.memory_space<vmem_shared>>
      tpu.wait_indirect_dma semaphore(%arg19 : memref<!tpu.dma_semaphore, #tpu.memory_space<semaphore_mem>>) src(%dma_wait3A_392 : memref<2048xf32, #tpu.memory_space<vmem>>) dst(%dma_wait3A_396 : memref<100352xf32, #tpu.memory_space<vmem_shared>>)
      %dma_wait3A_397 = arith.constant 8192 : i32
      %dma_wait3A_398 = tpu.memref_slice %arg12[%dma_wait3A_397] : memref<16384xf32, #tpu.memory_space<vmem>> -> memref<2048xf32, #tpu.memory_space<vmem>>
      %dma_wait3A_399 = arith.constant 401408 : i32
      %dma_wait3A_400 = tpu.memref_slice %arg7[%dma_wait3A_399] : memref<802816xf32, #tpu.memory_space<vmem_shared>> -> memref<100352xf32, #tpu.memory_space<vmem_shared>>
      %dma_wait3A_401 = arith.constant 0 : i32
      %dma_wait3A_402 = tpu.memref_slice %dma_wait3A_400[%dma_wait3A_401] : memref<100352xf32, #tpu.memory_space<vmem_shared>> -> memref<100352xf32, #tpu.memory_space<vmem_shared>>
      tpu.wait_indirect_dma semaphore(%arg19 : memref<!tpu.dma_semaphore, #tpu.memory_space<semaphore_mem>>) src(%dma_wait3A_398 : memref<2048xf32, #tpu.memory_space<vmem>>) dst(%dma_wait3A_402 : memref<100352xf32, #tpu.memory_space<vmem_shared>>)
      %dma_wait3A_403 = arith.constant 10240 : i32
      %dma_wait3A_404 = tpu.memref_slice %arg12[%dma_wait3A_403] : memref<16384xf32, #tpu.memory_space<vmem>> -> memref<2048xf32, #tpu.memory_space<vmem>>
      %dma_wait3A_405 = arith.constant 501760 : i32
      %dma_wait3A_406 = tpu.memref_slice %arg7[%dma_wait3A_405] : memref<802816xf32, #tpu.memory_space<vmem_shared>> -> memref<100352xf32, #tpu.memory_space<vmem_shared>>
      %dma_wait3A_407 = arith.constant 0 : i32
      %dma_wait3A_408 = tpu.memref_slice %dma_wait3A_406[%dma_wait3A_407] : memref<100352xf32, #tpu.memory_space<vmem_shared>> -> memref<100352xf32, #tpu.memory_space<vmem_shared>>
      tpu.wait_indirect_dma semaphore(%arg19 : memref<!tpu.dma_semaphore, #tpu.memory_space<semaphore_mem>>) src(%dma_wait3A_404 : memref<2048xf32, #tpu.memory_space<vmem>>) dst(%dma_wait3A_408 : memref<100352xf32, #tpu.memory_space<vmem_shared>>)
      %dma_wait3A_409 = arith.constant 12288 : i32
      %dma_wait3A_410 = tpu.memref_slice %arg12[%dma_wait3A_409] : memref<16384xf32, #tpu.memory_space<vmem>> -> memref<2048xf32, #tpu.memory_space<vmem>>
      %dma_wait3A_411 = arith.constant 602112 : i32
      %dma_wait3A_412 = tpu.memref_slice %arg7[%dma_wait3A_411] : memref<802816xf32, #tpu.memory_space<vmem_shared>> -> memref<100352xf32, #tpu.memory_space<vmem_shared>>
      %dma_wait3A_413 = arith.constant 0 : i32
      %dma_wait3A_414 = tpu.memref_slice %dma_wait3A_412[%dma_wait3A_413] : memref<100352xf32, #tpu.memory_space<vmem_shared>> -> memref<100352xf32, #tpu.memory_space<vmem_shared>>
      tpu.wait_indirect_dma semaphore(%arg19 : memref<!tpu.dma_semaphore, #tpu.memory_space<semaphore_mem>>) src(%dma_wait3A_410 : memref<2048xf32, #tpu.memory_space<vmem>>) dst(%dma_wait3A_414 : memref<100352xf32, #tpu.memory_space<vmem_shared>>)
      %dma_wait3A_415 = arith.constant 14336 : i32
      %dma_wait3A_416 = tpu.memref_slice %arg12[%dma_wait3A_415] : memref<16384xf32, #tpu.memory_space<vmem>> -> memref<2048xf32, #tpu.memory_space<vmem>>
      %dma_wait3A_417 = arith.constant 702464 : i32
      %dma_wait3A_418 = tpu.memref_slice %arg7[%dma_wait3A_417] : memref<802816xf32, #tpu.memory_space<vmem_shared>> -> memref<100352xf32, #tpu.memory_space<vmem_shared>>
      %dma_wait3A_419 = arith.constant 0 : i32
      %dma_wait3A_420 = tpu.memref_slice %dma_wait3A_418[%dma_wait3A_419] : memref<100352xf32, #tpu.memory_space<vmem_shared>> -> memref<100352xf32, #tpu.memory_space<vmem_shared>>
      tpu.wait_indirect_dma semaphore(%arg19 : memref<!tpu.dma_semaphore, #tpu.memory_space<semaphore_mem>>) src(%dma_wait3A_416 : memref<2048xf32, #tpu.memory_space<vmem>>) dst(%dma_wait3A_420 : memref<100352xf32, #tpu.memory_space<vmem_shared>>)
      %dma_wait3A_421 = arith.constant 0 : i32
      %dma_wait3A_422 = tpu.memref_slice %arg16[%dma_wait3A_421] : memref<16384xf32, #tpu.memory_space<vmem>> -> memref<2048xf32, #tpu.memory_space<vmem>>
      %dma_wait3A_423 = arith.constant 0 : i32
      %dma_wait3A_424 = tpu.memref_slice %arg7[%dma_wait3A_423] : memref<802816xf32, #tpu.memory_space<vmem_shared>> -> memref<100352xf32, #tpu.memory_space<vmem_shared>>
      %dma_wait3A_425 = arith.constant 0 : i32
      %dma_wait3A_426 = tpu.memref_slice %dma_wait3A_424[%dma_wait3A_425] : memref<100352xf32, #tpu.memory_space<vmem_shared>> -> memref<100352xf32, #tpu.memory_space<vmem_shared>>
      tpu.wait_indirect_dma semaphore(%arg20 : memref<!tpu.dma_semaphore, #tpu.memory_space<semaphore_mem>>) src(%dma_wait3A_422 : memref<2048xf32, #tpu.memory_space<vmem>>) dst(%dma_wait3A_426 : memref<100352xf32, #tpu.memory_space<vmem_shared>>)
      %dma_wait3A_427 = arith.constant 2048 : i32
      %dma_wait3A_428 = tpu.memref_slice %arg16[%dma_wait3A_427] : memref<16384xf32, #tpu.memory_space<vmem>> -> memref<2048xf32, #tpu.memory_space<vmem>>
      %dma_wait3A_429 = arith.constant 100352 : i32
      %dma_wait3A_430 = tpu.memref_slice %arg7[%dma_wait3A_429] : memref<802816xf32, #tpu.memory_space<vmem_shared>> -> memref<100352xf32, #tpu.memory_space<vmem_shared>>
      %dma_wait3A_431 = arith.constant 0 : i32
      %dma_wait3A_432 = tpu.memref_slice %dma_wait3A_430[%dma_wait3A_431] : memref<100352xf32, #tpu.memory_space<vmem_shared>> -> memref<100352xf32, #tpu.memory_space<vmem_shared>>
      tpu.wait_indirect_dma semaphore(%arg20 : memref<!tpu.dma_semaphore, #tpu.memory_space<semaphore_mem>>) src(%dma_wait3A_428 : memref<2048xf32, #tpu.memory_space<vmem>>) dst(%dma_wait3A_432 : memref<100352xf32, #tpu.memory_space<vmem_shared>>)
      %dma_wait3A_433 = arith.constant 4096 : i32
      %dma_wait3A_434 = tpu.memref_slice %arg16[%dma_wait3A_433] : memref<16384xf32, #tpu.memory_space<vmem>> -> memref<2048xf32, #tpu.memory_space<vmem>>
      %dma_wait3A_435 = arith.constant 200704 : i32
      %dma_wait3A_436 = tpu.memref_slice %arg7[%dma_wait3A_435] : memref<802816xf32, #tpu.memory_space<vmem_shared>> -> memref<100352xf32, #tpu.memory_space<vmem_shared>>
      %dma_wait3A_437 = arith.constant 0 : i32
      %dma_wait3A_438 = tpu.memref_slice %dma_wait3A_436[%dma_wait3A_437] : memref<100352xf32, #tpu.memory_space<vmem_shared>> -> memref<100352xf32, #tpu.memory_space<vmem_shared>>
      tpu.wait_indirect_dma semaphore(%arg20 : memref<!tpu.dma_semaphore, #tpu.memory_space<semaphore_mem>>) src(%dma_wait3A_434 : memref<2048xf32, #tpu.memory_space<vmem>>) dst(%dma_wait3A_438 : memref<100352xf32, #tpu.memory_space<vmem_shared>>)
      %dma_wait3A_439 = arith.constant 6144 : i32
      %dma_wait3A_440 = tpu.memref_slice %arg16[%dma_wait3A_439] : memref<16384xf32, #tpu.memory_space<vmem>> -> memref<2048xf32, #tpu.memory_space<vmem>>
      %dma_wait3A_441 = arith.constant 301056 : i32
      %dma_wait3A_442 = tpu.memref_slice %arg7[%dma_wait3A_441] : memref<802816xf32, #tpu.memory_space<vmem_shared>> -> memref<100352xf32, #tpu.memory_space<vmem_shared>>
      %dma_wait3A_443 = arith.constant 0 : i32
      %dma_wait3A_444 = tpu.memref_slice %dma_wait3A_442[%dma_wait3A_443] : memref<100352xf32, #tpu.memory_space<vmem_shared>> -> memref<100352xf32, #tpu.memory_space<vmem_shared>>
      tpu.wait_indirect_dma semaphore(%arg20 : memref<!tpu.dma_semaphore, #tpu.memory_space<semaphore_mem>>) src(%dma_wait3A_440 : memref<2048xf32, #tpu.memory_space<vmem>>) dst(%dma_wait3A_444 : memref<100352xf32, #tpu.memory_space<vmem_shared>>)
      %dma_wait3A_445 = arith.constant 8192 : i32
      %dma_wait3A_446 = tpu.memref_slice %arg16[%dma_wait3A_445] : memref<16384xf32, #tpu.memory_space<vmem>> -> memref<2048xf32, #tpu.memory_space<vmem>>
      %dma_wait3A_447 = arith.constant 401408 : i32
      %dma_wait3A_448 = tpu.memref_slice %arg7[%dma_wait3A_447] : memref<802816xf32, #tpu.memory_space<vmem_shared>> -> memref<100352xf32, #tpu.memory_space<vmem_shared>>
      %dma_wait3A_449 = arith.constant 0 : i32
      %dma_wait3A_450 = tpu.memref_slice %dma_wait3A_448[%dma_wait3A_449] : memref<100352xf32, #tpu.memory_space<vmem_shared>> -> memref<100352xf32, #tpu.memory_space<vmem_shared>>
      tpu.wait_indirect_dma semaphore(%arg20 : memref<!tpu.dma_semaphore, #tpu.memory_space<semaphore_mem>>) src(%dma_wait3A_446 : memref<2048xf32, #tpu.memory_space<vmem>>) dst(%dma_wait3A_450 : memref<100352xf32, #tpu.memory_space<vmem_shared>>)
      %dma_wait3A_451 = arith.constant 10240 : i32
      %dma_wait3A_452 = tpu.memref_slice %arg16[%dma_wait3A_451] : memref<16384xf32, #tpu.memory_space<vmem>> -> memref<2048xf32, #tpu.memory_space<vmem>>
      %dma_wait3A_453 = arith.constant 501760 : i32
      %dma_wait3A_454 = tpu.memref_slice %arg7[%dma_wait3A_453] : memref<802816xf32, #tpu.memory_space<vmem_shared>> -> memref<100352xf32, #tpu.memory_space<vmem_shared>>
      %dma_wait3A_455 = arith.constant 0 : i32
      %dma_wait3A_456 = tpu.memref_slice %dma_wait3A_454[%dma_wait3A_455] : memref<100352xf32, #tpu.memory_space<vmem_shared>> -> memref<100352xf32, #tpu.memory_space<vmem_shared>>
      tpu.wait_indirect_dma semaphore(%arg20 : memref<!tpu.dma_semaphore, #tpu.memory_space<semaphore_mem>>) src(%dma_wait3A_452 : memref<2048xf32, #tpu.memory_space<vmem>>) dst(%dma_wait3A_456 : memref<100352xf32, #tpu.memory_space<vmem_shared>>)
      %dma_wait3A_457 = arith.constant 12288 : i32
      %dma_wait3A_458 = tpu.memref_slice %arg16[%dma_wait3A_457] : memref<16384xf32, #tpu.memory_space<vmem>> -> memref<2048xf32, #tpu.memory_space<vmem>>
      %dma_wait3A_459 = arith.constant 602112 : i32
      %dma_wait3A_460 = tpu.memref_slice %arg7[%dma_wait3A_459] : memref<802816xf32, #tpu.memory_space<vmem_shared>> -> memref<100352xf32, #tpu.memory_space<vmem_shared>>
      %dma_wait3A_461 = arith.constant 0 : i32
      %dma_wait3A_462 = tpu.memref_slice %dma_wait3A_460[%dma_wait3A_461] : memref<100352xf32, #tpu.memory_space<vmem_shared>> -> memref<100352xf32, #tpu.memory_space<vmem_shared>>
      tpu.wait_indirect_dma semaphore(%arg20 : memref<!tpu.dma_semaphore, #tpu.memory_space<semaphore_mem>>) src(%dma_wait3A_458 : memref<2048xf32, #tpu.memory_space<vmem>>) dst(%dma_wait3A_462 : memref<100352xf32, #tpu.memory_space<vmem_shared>>)
      %dma_wait3A_463 = arith.constant 14336 : i32
      %dma_wait3A_464 = tpu.memref_slice %arg16[%dma_wait3A_463] : memref<16384xf32, #tpu.memory_space<vmem>> -> memref<2048xf32, #tpu.memory_space<vmem>>
      %dma_wait3A_465 = arith.constant 702464 : i32
      %dma_wait3A_466 = tpu.memref_slice %arg7[%dma_wait3A_465] : memref<802816xf32, #tpu.memory_space<vmem_shared>> -> memref<100352xf32, #tpu.memory_space<vmem_shared>>
      %dma_wait3A_467 = arith.constant 0 : i32
      %dma_wait3A_468 = tpu.memref_slice %dma_wait3A_466[%dma_wait3A_467] : memref<100352xf32, #tpu.memory_space<vmem_shared>> -> memref<100352xf32, #tpu.memory_space<vmem_shared>>
      tpu.wait_indirect_dma semaphore(%arg20 : memref<!tpu.dma_semaphore, #tpu.memory_space<semaphore_mem>>) src(%dma_wait3A_464 : memref<2048xf32, #tpu.memory_space<vmem>>) dst(%dma_wait3A_468 : memref<100352xf32, #tpu.memory_space<vmem_shared>>)
      %scan3A_469 = arith.constant 0 : i32
      scf.yield %scan3A_469 : i32
    }
    %scan3A_52 = arith.constant 25 : i32
    %barrier3A_53 = arith.constant 0 : index
    tpu.barrier barrier_id(%barrier3A_53)
    %mul3A_54 = arith.constant 802816 : i32
    %mul3A_55 = arith.muli %arg0, %mul3A_54 : i32
    %add3A_56 = arith.addi %mul3A_55, %mul3A_2 : i32
    "tpu.region"() ({
      %run_scoped3A = tpu.sem_alloc : memref<!tpu.dma_semaphore, #tpu.memory_space<semaphore_mem>>
      %dma_start3A = tpu.memref_slice %arg6[%add3A_56] : memref<1605632xf32, #tpu.memory_space<hbm>> -> memref<50176xf32, #tpu.memory_space<hbm>>
      %dma_start3A_57 = tpu.memref_slice %arg7[%mul3A_2] : memref<802816xf32, #tpu.memory_space<vmem_shared>> -> memref<50176xf32, #tpu.memory_space<vmem_shared>>
      tpu.enqueue_dma source(%dma_start3A_57 : memref<50176xf32, #tpu.memory_space<vmem_shared>>) target(%dma_start3A : memref<50176xf32, #tpu.memory_space<hbm>>) target_semaphore(%run_scoped3A : memref<!tpu.dma_semaphore, #tpu.memory_space<semaphore_mem>>)
      %dma_wait3A = tpu.memref_slice %arg6[%add3A_56] : memref<1605632xf32, #tpu.memory_space<hbm>> -> memref<50176xf32, #tpu.memory_space<hbm>>
      %dma_wait3A_58 = tpu.memref_slice %arg7[%mul3A_2] : memref<802816xf32, #tpu.memory_space<vmem_shared>> -> memref<50176xf32, #tpu.memory_space<vmem_shared>>
      tpu.wait_dma2 semaphore(%run_scoped3A : memref<!tpu.dma_semaphore, #tpu.memory_space<semaphore_mem>>) src(%dma_wait3A_58 : memref<50176xf32, #tpu.memory_space<vmem_shared>>) dst(%dma_wait3A : memref<50176xf32, #tpu.memory_space<hbm>>)
      tpu.yield
    }) : () -> ()
    return
  }
}

#map = affine_map<(d0, d1) -> (0)>
module attributes {stable_mosaic.version = 14 : i64} {
  func.func @_sc_deg_body(%arg0: i32, %arg1: i32, %arg2: memref<3276800xi32, #tpu.memory_space<hbm>>, %arg3: memref<3276800xf32, #tpu.memory_space<hbm>>, %arg4: memref<200704xf32, #tpu.memory_space<hbm>>, %arg5: memref<100352xf32, #tpu.memory_space<vmem_shared>>, %arg6: memref<2048xi32, #tpu.memory_space<vmem>>, %arg7: memref<2048xf32, #tpu.memory_space<vmem>>, %arg8: memref<2048xi32, #tpu.memory_space<vmem>>, %arg9: memref<2048xf32, #tpu.memory_space<vmem>>, %arg10: memref<6272xf32, #tpu.memory_space<vmem>>, %arg11: memref<!tpu.dma_semaphore, #tpu.memory_space<semaphore_mem>>) attributes {dimension_semantics = [#tpu.dimension_semantics<core_parallel>, #tpu.dimension_semantics<subcore_parallel>], iteration_bounds = array<i64: 2, 16>, scalar_prefetch = 0 : i64, scratch_operands = 7 : i64, tpu.core_type = #tpu.core_type<sc_vector_subcore>, window_params = [{transform_indices = #map}, {transform_indices = #map}, {transform_indices = #map}]} {
    %mul3A = arith.constant 16 : i32
    %mul3A_0 = arith.muli %arg0, %mul3A : i32
    %add3A = arith.addi %mul3A_0, %arg1 : i32
    %scan3A = arith.constant 0 : i32
    %scan3A_1 = arith.constant 0 : i32
    %scan3A_2 = arith.constant 392 : i32
    %scan3A_3 = arith.addi %scan3A_1, %scan3A_2 : i32
    %scan3A_4 = arith.constant 1 : i32
    %scan3A_5 = scf.for %scan3A_24 = %scan3A_1 to %scan3A_3 step %scan3A_4 iter_args(%scan3A_25 = %scan3A) -> (i32)  : i32 {
      %broadcast_in_dim3A = arith.constant 0.000000e+00 : f32
      %broadcast_in_dim3A_26 = vector.broadcast %broadcast_in_dim3A : f32 to vector<16xf32>
      %mul3A_27 = arith.constant 16 : i32
      %mul3A_28 = arith.muli %scan3A_24, %mul3A_27 : i32
      %swap3A = arith.index_cast %mul3A_28 : i32 to index
      %swap3A_29 = tpu.vector_load %arg10[%swap3A] {strides = array<i32>} : memref<6272xf32, #tpu.memory_space<vmem>>, vector<16xf32>,
      %swap3A_30 = vector.shape_cast %swap3A_29 : vector<16xf32> to vector<16xf32>
      %swap3A_31 = vector.shape_cast %broadcast_in_dim3A_26 : vector<16xf32> to vector<16xf32>
      tpu.vector_store %arg10[%swap3A], %swap3A_31 {strides = array<i32>} : memref<6272xf32, #tpu.memory_space<vmem>>, vector<16xf32>,
      %scan3A_32 = arith.constant 0 : i32
      scf.yield %scan3A_32 : i32
    }
    %scan3A_6 = arith.constant 392 : i32
    %mul3A_7 = arith.constant 6272 : i32
    %mul3A_8 = arith.muli %arg1, %mul3A_7 : i32
    "tpu.region"() ({
      %run_scoped3A = tpu.sem_alloc : memref<!tpu.dma_semaphore, #tpu.memory_space<semaphore_mem>>
      %dma_start3A = tpu.memref_slice %arg5[%mul3A_8] : memref<100352xf32, #tpu.memory_space<vmem_shared>> -> memref<6272xf32, #tpu.memory_space<vmem_shared>>
      %dma_start3A_24 = tpu.memref_slice %arg5[%mul3A_8] : memref<100352xf32, #tpu.memory_space<vmem_shared>> -> memref<6272xf32, #tpu.memory_space<vmem_shared>>
      tpu.enqueue_dma source(%arg10 : memref<6272xf32, #tpu.memory_space<vmem>>) target(%dma_start3A_24 : memref<6272xf32, #tpu.memory_space<vmem_shared>>) target_semaphore(%run_scoped3A : memref<!tpu.dma_semaphore, #tpu.memory_space<semaphore_mem>>)
      %dma_wait3A = tpu.memref_slice %arg5[%mul3A_8] : memref<100352xf32, #tpu.memory_space<vmem_shared>> -> memref<6272xf32, #tpu.memory_space<vmem_shared>>
      %dma_wait3A_25 = tpu.memref_slice %arg5[%mul3A_8] : memref<100352xf32, #tpu.memory_space<vmem_shared>> -> memref<6272xf32, #tpu.memory_space<vmem_shared>>
      tpu.wait_dma2 semaphore(%run_scoped3A : memref<!tpu.dma_semaphore, #tpu.memory_space<semaphore_mem>>) src(%arg10 : memref<6272xf32, #tpu.memory_space<vmem>>) dst(%dma_wait3A_25 : memref<6272xf32, #tpu.memory_space<vmem_shared>>)
      tpu.yield
    }) : () -> ()
    %barrier3A = arith.constant 0 : index
    tpu.barrier barrier_id(%barrier3A)
    %scan3A_9 = arith.constant 0 : i32
    %scan3A_10 = arith.constant 0 : i32
    %scan3A_11 = arith.constant 25 : i32
    %scan3A_12 = arith.addi %scan3A_10, %scan3A_11 : i32
    %scan3A_13 = arith.constant 1 : i32
    %scan3A_14 = scf.for %scan3A_24 = %scan3A_10 to %scan3A_12 step %scan3A_13 iter_args(%scan3A_25 = %scan3A_9) -> (i32)  : i32 {
      %mul3A_26 = arith.constant 102400 : i32
      %mul3A_27 = arith.muli %add3A, %mul3A_26 : i32
      %mul3A_28 = arith.constant 2 : i32
      %mul3A_29 = arith.muli %mul3A_28, %scan3A_24 : i32
      %mul3A_30 = arith.constant 2048 : i32
      %mul3A_31 = arith.muli %mul3A_29, %mul3A_30 : i32
      %add3A_32 = arith.addi %mul3A_27, %mul3A_31 : i32
      %add3A_33 = arith.constant 2048 : i32
      %add3A_34 = arith.addi %add3A_32, %add3A_33 : i32
      "tpu.region"() ({
        %run_scoped3A = tpu.sem_alloc : memref<!tpu.dma_semaphore, #tpu.memory_space<semaphore_mem>>
        %dma_start3A_42 = tpu.memref_slice %arg2[%add3A_32] : memref<3276800xi32, #tpu.memory_space<hbm>> -> memref<2048xi32, #tpu.memory_space<hbm>>
        %dma_start3A_43 = tpu.memref_slice %arg2[%add3A_32] : memref<3276800xi32, #tpu.memory_space<hbm>> -> memref<2048xi32, #tpu.memory_space<hbm>>
        tpu.enqueue_dma source(%dma_start3A_43 : memref<2048xi32, #tpu.memory_space<hbm>>) target(%arg6 : memref<2048xi32, #tpu.memory_space<vmem>>) target_semaphore(%run_scoped3A : memref<!tpu.dma_semaphore, #tpu.memory_space<semaphore_mem>>)
        %dma_wait3A_44 = tpu.memref_slice %arg2[%add3A_32] : memref<3276800xi32, #tpu.memory_space<hbm>> -> memref<2048xi32, #tpu.memory_space<hbm>>
        %dma_wait3A_45 = tpu.memref_slice %arg2[%add3A_32] : memref<3276800xi32, #tpu.memory_space<hbm>> -> memref<2048xi32, #tpu.memory_space<hbm>>
        tpu.wait_dma2 semaphore(%run_scoped3A : memref<!tpu.dma_semaphore, #tpu.memory_space<semaphore_mem>>) src(%dma_wait3A_45 : memref<2048xi32, #tpu.memory_space<hbm>>) dst(%arg6 : memref<2048xi32, #tpu.memory_space<vmem>>)
        tpu.yield
      }) : () -> ()
      "tpu.region"() ({
        %run_scoped3A = tpu.sem_alloc : memref<!tpu.dma_semaphore, #tpu.memory_space<semaphore_mem>>
        %dma_start3A_42 = tpu.memref_slice %arg3[%add3A_32] : memref<3276800xf32, #tpu.memory_space<hbm>> -> memref<2048xf32, #tpu.memory_space<hbm>>
        %dma_start3A_43 = tpu.memref_slice %arg3[%add3A_32] : memref<3276800xf32, #tpu.memory_space<hbm>> -> memref<2048xf32, #tpu.memory_space<hbm>>
        tpu.enqueue_dma source(%dma_start3A_43 : memref<2048xf32, #tpu.memory_space<hbm>>) target(%arg7 : memref<2048xf32, #tpu.memory_space<vmem>>) target_semaphore(%run_scoped3A : memref<!tpu.dma_semaphore, #tpu.memory_space<semaphore_mem>>)
        %dma_wait3A_44 = tpu.memref_slice %arg3[%add3A_32] : memref<3276800xf32, #tpu.memory_space<hbm>> -> memref<2048xf32, #tpu.memory_space<hbm>>
        %dma_wait3A_45 = tpu.memref_slice %arg3[%add3A_32] : memref<3276800xf32, #tpu.memory_space<hbm>> -> memref<2048xf32, #tpu.memory_space<hbm>>
        tpu.wait_dma2 semaphore(%run_scoped3A : memref<!tpu.dma_semaphore, #tpu.memory_space<semaphore_mem>>) src(%dma_wait3A_45 : memref<2048xf32, #tpu.memory_space<hbm>>) dst(%arg7 : memref<2048xf32, #tpu.memory_space<vmem>>)
        tpu.yield
      }) : () -> ()
      %dma_start3A = arith.constant 0 : i32
      %dma_start3A_35 = tpu.memref_slice %arg5[%dma_start3A] : memref<100352xf32, #tpu.memory_space<vmem_shared>> -> memref<100352xf32, #tpu.memory_space<vmem_shared>>
      tpu.enqueue_indirect_dma source(%arg7 : memref<2048xf32, #tpu.memory_space<vmem>>) target(%dma_start3A_35 : memref<100352xf32, #tpu.memory_space<vmem_shared>>) offsets(%arg6 : memref<2048xi32, #tpu.memory_space<vmem>>) semaphore(%arg11 : memref<!tpu.dma_semaphore, #tpu.memory_space<semaphore_mem>>) {add = true}
      "tpu.region"() ({
        %run_scoped3A = tpu.sem_alloc : memref<!tpu.dma_semaphore, #tpu.memory_space<semaphore_mem>>
        %dma_start3A_42 = tpu.memref_slice %arg2[%add3A_34] : memref<3276800xi32, #tpu.memory_space<hbm>> -> memref<2048xi32, #tpu.memory_space<hbm>>
        %dma_start3A_43 = tpu.memref_slice %arg2[%add3A_34] : memref<3276800xi32, #tpu.memory_space<hbm>> -> memref<2048xi32, #tpu.memory_space<hbm>>
        tpu.enqueue_dma source(%dma_start3A_43 : memref<2048xi32, #tpu.memory_space<hbm>>) target(%arg8 : memref<2048xi32, #tpu.memory_space<vmem>>) target_semaphore(%run_scoped3A : memref<!tpu.dma_semaphore, #tpu.memory_space<semaphore_mem>>)
        %dma_wait3A_44 = tpu.memref_slice %arg2[%add3A_34] : memref<3276800xi32, #tpu.memory_space<hbm>> -> memref<2048xi32, #tpu.memory_space<hbm>>
        %dma_wait3A_45 = tpu.memref_slice %arg2[%add3A_34] : memref<3276800xi32, #tpu.memory_space<hbm>> -> memref<2048xi32, #tpu.memory_space<hbm>>
        tpu.wait_dma2 semaphore(%run_scoped3A : memref<!tpu.dma_semaphore, #tpu.memory_space<semaphore_mem>>) src(%dma_wait3A_45 : memref<2048xi32, #tpu.memory_space<hbm>>) dst(%arg8 : memref<2048xi32, #tpu.memory_space<vmem>>)
        tpu.yield
      }) : () -> ()
      "tpu.region"() ({
        %run_scoped3A = tpu.sem_alloc : memref<!tpu.dma_semaphore, #tpu.memory_space<semaphore_mem>>
        %dma_start3A_42 = tpu.memref_slice %arg3[%add3A_34] : memref<3276800xf32, #tpu.memory_space<hbm>> -> memref<2048xf32, #tpu.memory_space<hbm>>
        %dma_start3A_43 = tpu.memref_slice %arg3[%add3A_34] : memref<3276800xf32, #tpu.memory_space<hbm>> -> memref<2048xf32, #tpu.memory_space<hbm>>
        tpu.enqueue_dma source(%dma_start3A_43 : memref<2048xf32, #tpu.memory_space<hbm>>) target(%arg9 : memref<2048xf32, #tpu.memory_space<vmem>>) target_semaphore(%run_scoped3A : memref<!tpu.dma_semaphore, #tpu.memory_space<semaphore_mem>>)
        %dma_wait3A_44 = tpu.memref_slice %arg3[%add3A_34] : memref<3276800xf32, #tpu.memory_space<hbm>> -> memref<2048xf32, #tpu.memory_space<hbm>>
        %dma_wait3A_45 = tpu.memref_slice %arg3[%add3A_34] : memref<3276800xf32, #tpu.memory_space<hbm>> -> memref<2048xf32, #tpu.memory_space<hbm>>
        tpu.wait_dma2 semaphore(%run_scoped3A : memref<!tpu.dma_semaphore, #tpu.memory_space<semaphore_mem>>) src(%dma_wait3A_45 : memref<2048xf32, #tpu.memory_space<hbm>>) dst(%arg9 : memref<2048xf32, #tpu.memory_space<vmem>>)
        tpu.yield
      }) : () -> ()
      %dma_start3A_36 = arith.constant 0 : i32
      %dma_start3A_37 = tpu.memref_slice %arg5[%dma_start3A_36] : memref<100352xf32, #tpu.memory_space<vmem_shared>> -> memref<100352xf32, #tpu.memory_space<vmem_shared>>
      tpu.enqueue_indirect_dma source(%arg9 : memref<2048xf32, #tpu.memory_space<vmem>>) target(%dma_start3A_37 : memref<100352xf32, #tpu.memory_space<vmem_shared>>) offsets(%arg8 : memref<2048xi32, #tpu.memory_space<vmem>>) semaphore(%arg11 : memref<!tpu.dma_semaphore, #tpu.memory_space<semaphore_mem>>) {add = true}
      %dma_wait3A = arith.constant 0 : i32
      %dma_wait3A_38 = tpu.memref_slice %arg5[%dma_wait3A] : memref<100352xf32, #tpu.memory_space<vmem_shared>> -> memref<100352xf32, #tpu.memory_space<vmem_shared>>
      tpu.wait_indirect_dma semaphore(%arg11 : memref<!tpu.dma_semaphore, #tpu.memory_space<semaphore_mem>>) src(%arg7 : memref<2048xf32, #tpu.memory_space<vmem>>) dst(%dma_wait3A_38 : memref<100352xf32, #tpu.memory_space<vmem_shared>>)
      %dma_wait3A_39 = arith.constant 0 : i32
      %dma_wait3A_40 = tpu.memref_slice %arg5[%dma_wait3A_39] : memref<100352xf32, #tpu.memory_space<vmem_shared>> -> memref<100352xf32, #tpu.memory_space<vmem_shared>>
      tpu.wait_indirect_dma semaphore(%arg11 : memref<!tpu.dma_semaphore, #tpu.memory_space<semaphore_mem>>) src(%arg9 : memref<2048xf32, #tpu.memory_space<vmem>>) dst(%dma_wait3A_40 : memref<100352xf32, #tpu.memory_space<vmem_shared>>)
      %scan3A_41 = arith.constant 0 : i32
      scf.yield %scan3A_41 : i32
    }
    %scan3A_15 = arith.constant 25 : i32
    %barrier3A_16 = arith.constant 0 : index
    tpu.barrier barrier_id(%barrier3A_16)
    %mul3A_17 = arith.constant 6272 : i32
    %mul3A_18 = arith.muli %arg1, %mul3A_17 : i32
    %mul3A_19 = arith.constant 100352 : i32
    %mul3A_20 = arith.muli %arg0, %mul3A_19 : i32
    %mul3A_21 = arith.constant 6272 : i32
    %mul3A_22 = arith.muli %arg1, %mul3A_21 : i32
    %add3A_23 = arith.addi %mul3A_20, %mul3A_22 : i32
    "tpu.region"() ({
      %run_scoped3A = tpu.sem_alloc : memref<!tpu.dma_semaphore, #tpu.memory_space<semaphore_mem>>
      %dma_start3A = tpu.memref_slice %arg4[%add3A_23] : memref<200704xf32, #tpu.memory_space<hbm>> -> memref<6272xf32, #tpu.memory_space<hbm>>
      %dma_start3A_24 = tpu.memref_slice %arg5[%mul3A_18] : memref<100352xf32, #tpu.memory_space<vmem_shared>> -> memref<6272xf32, #tpu.memory_space<vmem_shared>>
      tpu.enqueue_dma source(%dma_start3A_24 : memref<6272xf32, #tpu.memory_space<vmem_shared>>) target(%dma_start3A : memref<6272xf32, #tpu.memory_space<hbm>>) target_semaphore(%run_scoped3A : memref<!tpu.dma_semaphore, #tpu.memory_space<semaphore_mem>>)
      %dma_wait3A = tpu.memref_slice %arg4[%add3A_23] : memref<200704xf32, #tpu.memory_space<hbm>> -> memref<6272xf32, #tpu.memory_space<hbm>>
      %dma_wait3A_25 = tpu.memref_slice %arg5[%mul3A_18] : memref<100352xf32, #tpu.memory_space<vmem_shared>> -> memref<6272xf32, #tpu.memory_space<vmem_shared>>
      tpu.wait_dma2 semaphore(%run_scoped3A : memref<!tpu.dma_semaphore, #tpu.memory_space<semaphore_mem>>) src(%dma_wait3A_25 : memref<6272xf32, #tpu.memory_space<vmem_shared>>) dst(%dma_wait3A : memref<6272xf32, #tpu.memory_space<hbm>>)
      tpu.yield
    }) : () -> ()
    return
  }
}

module attributes {stable_mosaic.version = 14 : i64} {
  func.func @_tc_gru_xw_body(%arg0: memref<8x100352xf32, #tpu.memory_space<vmem>>, %arg1: memref<8x8xf32, #tpu.memory_space<vmem>>, %arg2: memref<24x8xf32, #tpu.memory_space<vmem>>, %arg3: memref<24x8xf32, #tpu.memory_space<vmem>>, %arg4: memref<24x1xf32, #tpu.memory_space<vmem>>, %arg5: memref<24x1xf32, #tpu.memory_space<vmem>>, %arg6: memref<8x100352xf32, #tpu.memory_space<vmem>>) attributes {dimension_semantics = [], scalar_prefetch = 0 : i64, scratch_operands = 0 : i64, tpu.core_type = #tpu.core_type<tc>} {
    %get3A = arith.constant 0 : index
    %get3A_0 = arith.constant 0 : index
    %get3A_1 = vector.load %arg1[%get3A, %get3A_0] : memref<8x8xf32, #tpu.memory_space<vmem>>, vector<8x8xf32>
    %get3A_2 = arith.constant 0 : index
    %get3A_3 = arith.constant 0 : index
    %get3A_4 = vector.load %arg2[%get3A_2, %get3A_3] : memref<24x8xf32, #tpu.memory_space<vmem>>, vector<24x8xf32>
    %dot_general3A = arith.constant dense<0.000000e+00> : vector<24x8xf32>
    %dot_general3A_5 = tpu.matmul %get3A_4, %get3A_1, %dot_general3A {dimension_numbers = #tpu.dot_dimension_numbers<[1], [0], [0], [1], [0, 0, 1, 1], [], []>, transpose_lhs_hint = false} : vector<24x8xf32>, vector<8x8xf32>, vector<24x8xf32> -> vector<24x8xf32>
    %get3A_6 = arith.constant 0 : index
    %get3A_7 = arith.constant 0 : index
    %get3A_8 = vector.load %arg4[%get3A_6, %get3A_7] : memref<24x1xf32, #tpu.memory_space<vmem>>, vector<24x1xf32>
    %add3A = vector.broadcast %get3A_8 : vector<24x1xf32> to vector<24x8xf32>
    %add3A_9 = arith.addf %dot_general3A_5, %add3A : vector<24x8xf32>
    %get3A_10 = arith.constant 0 : index
    %get3A_11 = arith.constant 0 : index
    %get3A_12 = vector.load %arg3[%get3A_10, %get3A_11] : memref<24x8xf32, #tpu.memory_space<vmem>>, vector<24x8xf32>
    %dot_general3A_13 = arith.constant dense<0.000000e+00> : vector<24x8xf32>
    %dot_general3A_14 = tpu.matmul %get3A_12, %get3A_1, %dot_general3A_13 {dimension_numbers = #tpu.dot_dimension_numbers<[1], [0], [0], [1], [0, 0, 1, 1], [], []>, transpose_lhs_hint = false} : vector<24x8xf32>, vector<8x8xf32>, vector<24x8xf32> -> vector<24x8xf32>
    %get3A_15 = arith.constant 0 : index
    %get3A_16 = arith.constant 0 : index
    %get3A_17 = vector.load %arg5[%get3A_15, %get3A_16] : memref<24x1xf32, #tpu.memory_space<vmem>>, vector<24x1xf32>
    %add3A_18 = vector.broadcast %get3A_17 : vector<24x1xf32> to vector<24x8xf32>
    %add3A_19 = arith.addf %dot_general3A_14, %add3A_18 : vector<24x8xf32>
    %slice3A = vector.extract_strided_slice %add3A_9 {offsets = [0, 0], sizes = [8, 8], strides = [1, 1]} : vector<24x8xf32> to vector<8x8xf32>
    %slice3A_20 = vector.extract_strided_slice %add3A_19 {offsets = [0, 0], sizes = [8, 8], strides = [1, 1]} : vector<24x8xf32> to vector<8x8xf32>
    %add3A_21 = arith.addf %slice3A, %slice3A_20 : vector<8x8xf32>
    %logistic3A = arith.negf %add3A_21 : vector<8x8xf32>
    %logistic3A_22 = math.exp %logistic3A : vector<8x8xf32>
    %logistic3A_23 = arith.constant 1.000000e+00 : f32
    %logistic3A_24 = vector.broadcast %logistic3A_23 : f32 to vector<8x8xf32>
    %logistic3A_25 = arith.addf %logistic3A_24, %logistic3A_22 : vector<8x8xf32>
    %logistic3A_26 = arith.divf %logistic3A_24, %logistic3A_25 : vector<8x8xf32>
    %slice3A_27 = vector.extract_strided_slice %add3A_9 {offsets = [8, 0], sizes = [8, 8], strides = [1, 1]} : vector<24x8xf32> to vector<8x8xf32>
    %slice3A_28 = vector.extract_strided_slice %add3A_19 {offsets = [8, 0], sizes = [8, 8], strides = [1, 1]} : vector<24x8xf32> to vector<8x8xf32>
    %add3A_29 = arith.addf %slice3A_27, %slice3A_28 : vector<8x8xf32>
    %logistic3A_30 = arith.negf %add3A_29 : vector<8x8xf32>
    %logistic3A_31 = math.exp %logistic3A_30 : vector<8x8xf32>
    %logistic3A_32 = arith.constant 1.000000e+00 : f32
    %logistic3A_33 = vector.broadcast %logistic3A_32 : f32 to vector<8x8xf32>
    %logistic3A_34 = arith.addf %logistic3A_33, %logistic3A_31 : vector<8x8xf32>
    %logistic3A_35 = arith.divf %logistic3A_33, %logistic3A_34 : vector<8x8xf32>
    %slice3A_36 = vector.extract_strided_slice %add3A_9 {offsets = [16, 0], sizes = [8, 8], strides = [1, 1]} : vector<24x8xf32> to vector<8x8xf32>
    %slice3A_37 = vector.extract_strided_slice %add3A_19 {offsets = [16, 0], sizes = [8, 8], strides = [1, 1]} : vector<24x8xf32> to vector<8x8xf32>
    %mul3A = arith.mulf %logistic3A_26, %slice3A_37 : vector<8x8xf32>
    %add3A_38 = arith.addf %slice3A_36, %mul3A : vector<8x8xf32>
    %tanh3A = math.tanh %add3A_38 : vector<8x8xf32>
    %sub3A = arith.constant 1.000000e+00 : f32
    %sub3A_39 = vector.broadcast %sub3A : f32 to vector<8x8xf32>
    %sub3A_40 = arith.subf %sub3A_39, %logistic3A_35 : vector<8x8xf32>
    %mul3A_41 = arith.mulf %sub3A_40, %tanh3A : vector<8x8xf32>
    %mul3A_42 = arith.mulf %logistic3A_35, %get3A_1 : vector<8x8xf32>
    %add3A_43 = arith.addf %mul3A_41, %mul3A_42 : vector<8x8xf32>
    %get3A_44 = arith.constant 0 : index
    %get3A_45 = arith.constant 0 : index
    %get3A_46 = vector.load %arg0[%get3A_44, %get3A_45] : memref<8x100352xf32, #tpu.memory_space<vmem>>, vector<8x100352xf32>
    %dot_general3A_47 = arith.constant dense<0.000000e+00> : vector<8x100352xf32>
    %dot_general3A_48 = tpu.matmul %add3A_43, %get3A_46, %dot_general3A_47 {dimension_numbers = #tpu.dot_dimension_numbers<[1], [0], [0], [1], [0, 0, 1, 1], [], []>, transpose_lhs_hint = false} : vector<8x8xf32>, vector<8x100352xf32>, vector<8x100352xf32> -> vector<8x100352xf32>
    %swap3A = arith.constant 0 : index
    %swap3A_49 = arith.constant 0 : index
    %swap3A_50 = vector.load %arg6[%swap3A, %swap3A_49] : memref<8x100352xf32, #tpu.memory_space<vmem>>, vector<8x100352xf32>
    tpu.vector_store %arg6[%swap3A, %swap3A_49], %dot_general3A_48 {strides = array<i32>} : memref<8x100352xf32, #tpu.memory_space<vmem>>, vector<8x100352xf32>,
    return
  }
}

module attributes {stable_mosaic.version = 14 : i64} {
  func.func @_tc_dinv_y_body(%arg0: memref<1x100352xf32, #tpu.memory_space<vmem>>, %arg1: memref<1x100352xf32, #tpu.memory_space<vmem>>, %arg2: memref<8x100352xf32, #tpu.memory_space<vmem>>, %arg3: memref<8x100352xf32, #tpu.memory_space<vmem>>, %arg4: memref<1x100352xf32, #tpu.memory_space<vmem>>) attributes {dimension_semantics = [], scalar_prefetch = 0 : i64, scratch_operands = 0 : i64, tpu.core_type = #tpu.core_type<tc>} {
    %get3A = arith.constant 0 : index
    %get3A_0 = arith.constant 0 : index
    %get3A_1 = vector.load %arg0[%get3A, %get3A_0] : memref<1x100352xf32, #tpu.memory_space<vmem>>, vector<1x100352xf32>
    %get3A_2 = arith.constant 0 : index
    %get3A_3 = arith.constant 0 : index
    %get3A_4 = vector.load %arg1[%get3A_2, %get3A_3] : memref<1x100352xf32, #tpu.memory_space<vmem>>, vector<1x100352xf32>
    %add3A = arith.addf %get3A_1, %get3A_4 : vector<1x100352xf32>
    %add3A_5 = arith.constant 1.000000e+00 : f32
    %add3A_6 = vector.broadcast %add3A_5 : f32 to vector<1x100352xf32>
    %add3A_7 = arith.addf %add3A, %add3A_6 : vector<1x100352xf32>
    %rsqrt3A = math.rsqrt %add3A_7 : vector<1x100352xf32>
    %swap3A = arith.constant 0 : index
    %swap3A_8 = arith.constant 0 : index
    %swap3A_9 = vector.load %arg4[%swap3A, %swap3A_8] : memref<1x100352xf32, #tpu.memory_space<vmem>>, vector<1x100352xf32>
    tpu.vector_store %arg4[%swap3A, %swap3A_8], %rsqrt3A {strides = array<i32>} : memref<1x100352xf32, #tpu.memory_space<vmem>>, vector<1x100352xf32>,
    %get3A_10 = arith.constant 0 : index
    %get3A_11 = arith.constant 0 : index
    %get3A_12 = vector.load %arg2[%get3A_10, %get3A_11] : memref<8x100352xf32, #tpu.memory_space<vmem>>, vector<8x100352xf32>
    %mul3A = vector.broadcast %rsqrt3A : vector<1x100352xf32> to vector<8x100352xf32>
    %mul3A_13 = arith.mulf %mul3A, %get3A_12 : vector<8x100352xf32>
    %swap3A_14 = arith.constant 0 : index
    %swap3A_15 = arith.constant 0 : index
    %swap3A_16 = vector.load %arg3[%swap3A_14, %swap3A_15] : memref<8x100352xf32, #tpu.memory_space<vmem>>, vector<8x100352xf32>
    tpu.vector_store %arg3[%swap3A_14, %swap3A_15], %mul3A_13 {strides = array<i32>} : memref<8x100352xf32, #tpu.memory_space<vmem>>, vector<8x100352xf32>,
    return
  }
}

module attributes {stable_mosaic.version = 14 : i64} {
  func.func @_tc_head_body(%arg0: memref<8x100352xf32, #tpu.memory_space<vmem>>, %arg1: memref<8x100352xf32, #tpu.memory_space<vmem>>, %arg2: memref<1x100352xf32, #tpu.memory_space<vmem>>, %arg3: memref<8x1xf32, #tpu.memory_space<vmem>>, %arg4: memref<8x1xf32, #tpu.memory_space<vmem>>, %arg5: memref<1x1xf32, #tpu.memory_space<vmem>>, %arg6: memref<1x100352xf32, #tpu.memory_space<vmem>>) attributes {dimension_semantics = [], scalar_prefetch = 0 : i64, scratch_operands = 0 : i64, tpu.core_type = #tpu.core_type<tc>} {
    %get3A = arith.constant 0 : index
    %get3A_0 = arith.constant 0 : index
    %get3A_1 = vector.load %arg2[%get3A, %get3A_0] : memref<1x100352xf32, #tpu.memory_space<vmem>>, vector<1x100352xf32>
    %get3A_2 = arith.constant 0 : index
    %get3A_3 = arith.constant 0 : index
    %get3A_4 = vector.load %arg0[%get3A_2, %get3A_3] : memref<8x100352xf32, #tpu.memory_space<vmem>>, vector<8x100352xf32>
    %get3A_5 = arith.constant 0 : index
    %get3A_6 = arith.constant 0 : index
    %get3A_7 = vector.load %arg1[%get3A_5, %get3A_6] : memref<8x100352xf32, #tpu.memory_space<vmem>>, vector<8x100352xf32>
    %add3A = arith.addf %get3A_4, %get3A_7 : vector<8x100352xf32>
    %mul3A = vector.broadcast %get3A_1 : vector<1x100352xf32> to vector<8x100352xf32>
    %mul3A_8 = arith.mulf %mul3A, %add3A : vector<8x100352xf32>
    %get3A_9 = arith.constant 0 : index
    %get3A_10 = arith.constant 0 : index
    %get3A_11 = vector.load %arg3[%get3A_9, %get3A_10] : memref<8x1xf32, #tpu.memory_space<vmem>>, vector<8x1xf32>
    %add3A_12 = vector.broadcast %get3A_11 : vector<8x1xf32> to vector<8x100352xf32>
    %add3A_13 = arith.addf %mul3A_8, %add3A_12 : vector<8x100352xf32>
    %max3A = arith.constant 0.000000e+00 : f32
    %max3A_14 = vector.broadcast %max3A : f32 to vector<8x100352xf32>
    %max3A_15 = arith.maximumf %add3A_13, %max3A_14 : vector<8x100352xf32>
    %get3A_16 = arith.constant 0 : index
    %get3A_17 = arith.constant 0 : index
    %get3A_18 = vector.load %arg4[%get3A_16, %get3A_17] : memref<8x1xf32, #tpu.memory_space<vmem>>, vector<8x1xf32>
    %mul3A_19 = vector.broadcast %get3A_18 : vector<8x1xf32> to vector<8x100352xf32>
    %mul3A_20 = arith.mulf %max3A_15, %mul3A_19 : vector<8x100352xf32>
    %reduce_sum3A = arith.constant dense<0.000000e+00> : vector<100352xf32>
    %reduce_sum3A_21 = vector.multi_reduction <add>, %mul3A_20, %reduce_sum3A [0] : vector<8x100352xf32> to vector<100352xf32>
    %broadcast_in_dim3A = vector.shape_cast %reduce_sum3A_21 : vector<100352xf32> to vector<1x100352xf32>
    %get3A_22 = arith.constant 0 : index
    %get3A_23 = arith.constant 0 : index
    %get3A_24 = vector.load %arg5[%get3A_22, %get3A_23] : memref<1x1xf32, #tpu.memory_space<vmem>>, vector<1x1xf32>
    %add3A_25 = vector.broadcast %get3A_24 : vector<1x1xf32> to vector<1x100352xf32>
    %add3A_26 = arith.addf %broadcast_in_dim3A, %add3A_25 : vector<1x100352xf32>
    %swap3A = arith.constant 0 : index
    %swap3A_27 = arith.constant 0 : index
    %swap3A_28 = vector.load %arg6[%swap3A, %swap3A_27] : memref<1x100352xf32, #tpu.memory_space<vmem>>, vector<1x100352xf32>
    tpu.vector_store %arg6[%swap3A, %swap3A_27], %add3A_26 {strides = array<i32>} : memref<1x100352xf32, #tpu.memory_space<vmem>>, vector<1x100352xf32>,
    return
  }
}

</mosaic_0001>

<sc_bundles>
// kernel: kernel.10.cloned.1.call-start
scs
__scs_entry_jumppad:
0x0: {  	(pc) =	sbr.rel $0x88, $3  }
0x1: {  	(tag) =	ssettag $0x0;
	lr =	simm.s32 $0x1  }
0x2: {  	[smem:$0x3F96] =	sst lr;
	_ =	strace $0xD0000000  }
0x3: {  	_ = 	snop  }
0x4: {  	_ = 	snop  }
0x5: {  	_ = 	snop  }
0x6: {  	_ = 	snop  }
0x7: {  	_ = 	snop  }
__scs_overlays_trampoline_lowered:
0x8: {  	[smem:$0x3FA5] =	sst s0  }
0x9: {  	[smem:$0x3FA6] =	sst s1  }
0xa: {  	[smem:$0x3FA7] =	sst s2  }
0xb: {  	[smem:$0x3FA8] =	sst s3  }
0xc: {  	[smem:$0x3FA9] =	sst s4  }
0xd: {  	[smem:$0x3FAA] =	sst s5  }
0xe: {  	[smem:$0x3FAB] =	sst s6  }
0xf: {  	[smem:$0x3FAC] =	sst s7  }
0x10: {  	[smem:$0x3FAD] =	sst s8  }
0x11: {  	[smem:$0x3FAE] =	sst s9;
	s0 =	simm.s32 @!p0 $0x0  }
0x12: {  	s1 =	sld [smem:$0x3F94];
	s0 =	simm.s32 @p0 $0x1  }
0x13: {  	[smem:$0x3FAF] =	sst s0;
	s0 =	simm.s32 @!p1 $0x0  }
0x14: {  	s2 =	sld [smem:$0x3F93];
	s0 =	simm.s32 @p1 $0x1  }
0x15: {  	[smem:$0x3FB0] =	sst s0;
	s0 =	simm.s32 @!p2 $0x0  }
0x16: {  	s3 =	sld [smem:$0x3FDB];
	s0 =	simm.s32 @p2 $0x1  }
0x17: {  	s4 =	simm.s32 $0x1BF5;
	[smem:$0x3FB2] =	sst s0  }
0x18: {  	s0 =	sld [smem:$0x3F95];
	_ =	swait.ge [sflag:s4], $0x0  }
0x19: {  	s7 =	sld [smem:$0x3F96]  }
0x1a: {  	s8 =	sadd.s32 $0xFFFFE003, lr  }
0x1b: {  	s9 =	sadd.s32 $0xFFFFFEF7, lr;
	s5 =	simm.s32 $0xFFFFFFFF;
	p2 =	slt.u32 s8, $0xFFFFF086  }
0x1c: {  	p1 =	slt.u32 s9, $0xF7A;
	s5 =	simm.s32 @!p2 $0x0  }
0x1d: {  	s5 =	simm.s32 @p1 $0x1;
	p0 =	seq.s32 s7, s2  }
0x1e: {  	s7 =	smul.u32 @!p0 $0xF7A, s2;
	p2 =	seq.s32 @!p0 s5, $0x0  }
0x1f: {  	s9 =	smul.u32 $0xF7A, s1;
	s8 =	simm.s32 @!p0 $0x1BF5;
	p2 =	por !p2, p0  }
0x20: {  	[sflag:s8] =	ssyncset.s32 @!p0 $0xFFFFF086;
	s6 =	sadd.s32 @!p0 s3, s7;
	s7 =	simm.s32 @!p0 $0x108  }
0x21: {  	s3 =	sadd.s32 s3, s9;
	s6 =	sadd.s32 @!p0 $0x88, s6;
	s7 =	simm.s32 @p2 $0x1082  }
0x22: {  	[simem:s7], [sflag:s8] =	dma.local @!p0 [hbm:s6], $0xF7A  }
0x23: {  	s9 =	sor.u32 $0xD0000000, s2;
	s6 =	simm.s32 $0x108;
	_ =	swait.ge @!p0 [sflag:s8], $0x0  }
0x24: {  	s3 =	sadd.s32 $0x88, s3;
	s6 =	simm.s32 @!p1 $0x1082;
	[sflag:s4] =	ssyncset.s32 $0xFFFFF086  }
0x25: {  	[simem:s6], [sflag:s4] =	dma.local [hbm:s3], $0xF7A  }
0x26: {  	[smem:$0x3F96] =	sst s1;
	(tag) =	ssettag s2;
	_ =	strace s9  }
0x27: {  	s1 =	sld [smem:$0x3FA6]  }
0x28: {  	s2 =	sld [smem:$0x3FA7]  }
0x29: {  	s4 =	sld [smem:$0x3FA9]  }
0x2a: {  	p0 =	seq.s32 s5, $0x0;
	s5 =	sld [smem:$0x3FAA]  }
0x2b: {  	s6 =	sld [smem:$0x3FAB]  }
0x2c: {  	s7 =	sld [smem:$0x3FAC]  }
0x2d: {  	s3 =	simm.s32 $0x108;
	s8 =	sld [smem:$0x3FAD]  }
0x2e: {  	s3 =	simm.s32 @!p0 $0x1082;
	s9 =	sld [smem:$0x3FAE]  }
0x2f: {  	lr =	sadd.s32 s0, s3;
	s0 =	sld [smem:$0x3FA5]  }
0x30: {  	s3 =	sld [smem:$0x3FA8]  }
0x31: {  	[smem:$0x3FB1] =	sst s10  }
0x32: {  	s10 =	sld [smem:$0x3FAF];
	_ =	sdelay $0x3  }
0x33: {  	p0 =	seq.s32 s10, $0x1;
	s10 =	sld [smem:$0x3FB1];
	_ =	sdelay $0x3  }
0x34: {  	[smem:$0x3FB1] =	sst s10  }
0x35: {  	s10 =	sld [smem:$0x3FB0];
	_ =	sdelay $0x3  }
0x36: {  	p1 =	seq.s32 s10, $0x1;
	s10 =	sld [smem:$0x3FB1];
	_ =	sdelay $0x3  }
0x37: {  	[smem:$0x3FB1] =	sst s10  }
0x38: {  	s10 =	sld [smem:$0x3FB2]  }
0x39: {  	_ = 	snop;
	(pc) =	sbr.ind lr, $3  }
0x3a: {  	_ = 	snop  }
0x3b: {  	_ = 	snop  }
0x3c: {  	p2 =	seq.s32 s10, $0x1;
	s10 =	sld [smem:$0x3FB1]  }
0x3d: {  	_ =	shalt  }
0x3e: {  	_ =	shalt  }
0x3f: {  	_ =	shalt  }
0x40: {  	_ =	shalt  }
0x41: {  	_ =	shalt  }
0x42: {  	_ =	shalt  }
0x43: {  	_ =	shalt  }
0x44: {  	_ =	shalt  }
0x45: {  	_ =	shalt  }
0x46: {  	_ =	shalt  }
0x47: {  	_ =	shalt  }
0x48: {  	_ =	shalt  }
0x49: {  	_ =	shalt  }
0x4a: {  	_ =	shalt  }
0x4b: {  	_ =	shalt  }
0x4c: {  	_ =	shalt  }
0x4d: {  	_ =	shalt  }
0x4e: {  	_ =	shalt  }
0x4f: {  	_ =	shalt  }
0x50: {  	_ =	shalt  }
0x51: {  	_ =	shalt  }
0x52: {  	_ =	shalt  }
0x53: {  	_ =	shalt  }
0x54: {  	_ =	shalt  }
0x55: {  	_ =	shalt  }
0x56: {  	_ =	shalt  }
0x57: {  	_ =	shalt  }
0x58: {  	_ =	shalt  }
0x59: {  	_ =	shalt  }
0x5a: {  	_ =	shalt  }
0x5b: {  	_ =	shalt  }
0x5c: {  	_ =	shalt  }
0x5d: {  	_ =	shalt  }
0x5e: {  	_ =	shalt  }
0x5f: {  	_ =	shalt  }
0x60: {  	_ =	shalt  }
0x61: {  	_ =	shalt  }
0x62: {  	_ =	shalt  }
0x63: {  	_ =	shalt  }
0x64: {  	_ =	shalt  }
0x65: {  	_ =	shalt  }
0x66: {  	_ =	shalt  }
0x67: {  	_ =	shalt  }
0x68: {  	_ =	shalt  }
0x69: {  	_ =	shalt  }
0x6a: {  	_ =	shalt  }
0x6b: {  	_ =	shalt  }
0x6c: {  	_ =	shalt  }
0x6d: {  	_ =	shalt  }
0x6e: {  	_ =	shalt  }
0x6f: {  	_ =	shalt  }
0x70: {  	_ =	shalt  }
0x71: {  	_ =	shalt  }
0x72: {  	_ =	shalt  }
0x73: {  	_ =	shalt  }
0x74: {  	_ =	shalt  }
0x75: {  	_ =	shalt  }
0x76: {  	_ =	shalt  }
0x77: {  	_ =	shalt  }
0x78: {  	_ =	shalt  }
0x79: {  	_ =	shalt  }
0x7a: {  	_ =	shalt  }
0x7b: {  	_ =	shalt  }
0x7c: {  	_ =	shalt  }
0x7d: {  	_ =	shalt  }
0x7e: {  	_ =	shalt  }
0x7f: {  	_ =	shalt  }
0x80: {  	_ =	shalt  }
0x81: {  	_ =	shalt  }
0x82: {  	_ =	shalt  }
0x83: {  	_ =	shalt  }
0x84: {  	_ =	shalt  }
0x85: {  	_ =	shalt  }
0x86: {  	_ =	shalt  }
0x87: {  	_ =	shalt  }
.Lfunc_end0:
.L_simem_size_0:
called_computation.1_lowered:
.L_overlay_start_0:
0x88: {  	s2 =	sld [smem:$0x3FD9]  }
0x89: {  	s3 =	sld [smem:$0x3FFE];
	_ =	sdelay $0x1  }
0x8a: {  	s1 =	srdreg.scid  }
0x8b: {  	s0 =	sand.u32 $0x1, s1  }
0x8c: {  	s16 =	sshll.u32 s0, $0xA;
	s2 =	sadd.s32 s3, s2  }
0x8d: {  	s2 =	sadd.s32 s2, s16  }
0x8e: {  	[smem:$0x3FBD] =	sst s2  }
0x8f: {  	_ = 	snop  }
0x90: {  	(tm) =	ssettm $0x1  }
0x91: {  	s17 =	sld [smem:$0x3FFB];
	_ =	sdelay $0x3  }
0x92: {  	_ =	strace s17  }
0x93: {  	s2 =	sld [smem:$0x3FFC];
	_ =	sdelay $0x3  }
0x94: {  	_ =	strace s2  }
0x95: {  	s2 =	sld [smem:$0x3FFD];
	_ =	sdelay $0x3  }
0x96: {  	_ =	strace s2  }
0x97: {  	_ =	strace $0x8FFFFFFF  }
0x98: {  	s18 =	sld [smem:$0x3FDB];
	_ =	sdelay $0x1  }
0x99: {  	s19 =	simm.s32 $_scs_section_size  }
0x9a: {  	s4 =	simm.s32 $_size__tile_overlayer_lowered;
	s5 =	simm.s32 $_tile_overlayer_lowered  }
0x9b: {  	s22 =	simm.s32 $0x1BFF;
	s21 =	sshll.u32 s5, $0x1;
	s2 =	sadd.s32 s19, s18  }
0x9c: {  	s6 =	simm.s32 $0x0;
	s20 =	sshll.u32 s4, $0x1;
	s4 =	sadd.s32 s21, s2  }
0x9d: {  	[timem:s6], [sflag:s22] =	dma.local [hbm:s4], s20  }
0x9e: {  	_ =	swait.ge [sflag:s22], s20  }
0x9f: {  	s3 =	ssub.s32 $0x0, s20;
	[sflag:s22] =	ssyncset.done $0x0  }
0xa0: {  	[sflag:s22] =	ssyncadd.s32 s3;
	_ =	sdelay $0x1  }
0xa1: {  	s23 =	simm.s32 $0x1B8B  }
0xa2: {  	_ =	swait.ge [sflag:s23], $0x1  }
0xa3: {  	[sflag:s23] =	ssyncset.done $0x0  }
0xa4: {  	s25 =	simm.s32 $0x1B8E;
	s24 =	sld [smem:$0x3FFE];
	[sflag:s23] =	ssyncadd.s32 $0xFFFFFFFF  }
0xa5: {  	s26 =	simm.s32 $execute0_lowered;
	[smem:$0x3FD2] =	sst s25  }
0xa6: {  	s4 =	sshll.u32 s26, $0x1;
	_ =	strace $0x80000049;
	[dreg:$0x1] =	wrdreg $0xFFFFFFFF  }
0xa7: {  	s28 =	simm.s32 $_size_execute0_lowered;
	s2 =	sadd.s32 s2, s4;
	[dreg:$0x0] =	wrdreg $0x0  }
0xa8: {  	s4 =	sshll.u32 s28, $0x1;
	[dreg:$0x2] =	wrdreg s2  }
0xa9: {  	[dreg:$0x3] =	wrdreg s4  }
0xaa: {  	[dreg:$0x4] =	wrdreg $0xC0  }
0xab: {  	_ =	task [dreg:s6], $0x5FFFF  }
0xac: {  	[dreg:$0x1] =	wrdreg $0xFFFFFFFF  }
0xad: {  	[dreg:$0x0] =	wrdreg $0x60  }
0xae: {  	[dreg:$0x2] =	wrdreg s24  }
0xaf: {  	[dreg:$0x3] =	wrdreg $0x0  }
0xb0: {  	[dreg:$0x4] =	wrdreg $0x9  }
0xb1: {  	_ =	task.clear_ibuf [dreg:s6], $0x5FFFF;
	_ =	strace $0x90000049  }
0xb2: {  	s29 =	simm.s32 $0x9;
	_ =	strace $0x8000004B  }
0xb3: {  	_ =	swait.ge [sflag:s29], $0x1  }
0xb4: {  	[sflag:s29] =	ssyncadd.s32 $0xFFFFFFFF  }
0xb5: {  	_ =	strace $0x9000004B  }
0xb6: {  	_ =	sfence  }
0xb7: {  	s30 =	sld [smem:$0x0];
	_ =	sdelay $0x2  }
0xb8: {  	s31 =	sshll.u32 s1, $0xD;
	s1 =	sshrl.u32 s1, $0x2  }
0xb9: {  	s3 =	sand.u32 $0x4000, s31;
	s1 =	sadd.s32 s1, s30  }
0xba: {  	s0 =	sor.u32 s3, s0;
	s1 =	sshll.u32 s1, $0x11  }
0xbb: {  	s0 =	sor.u32 s1, s0  }
0xbc: {  	s0 =	sadd.s32 $0x8F2B, s0  }
0xbd: {  	[sflag:s0] =	ssyncadd.remote.s32 $0x1  }
0xbe: {  	_ =	sfence.sel $0xFFFF  }
0xbf: {  	[dreg:$0x0] =	wrdreg $0xFFFFFFFF;
	(pc) =	sbr.abs _section_cstart, $3  }
0xc0: {  	[dreg:$0x1] =	wrdreg $0xFFFFFFFF  }
0xc1: {  	_ =	task.clear_ibuf [dreg:s6], $0x2FFFF;
	_ =	strace $0x9FFFFFFF  }
0xc2: {  	(tm) =	ssettm $0x7FFFFFFF  }
0xc3: {  	_ =	shalt  }
tec
execute0_lowered:
.L_overlay_start_1:
0x0: {  	(tag) =	ssettag $0x1  }
0x1: {  	s0 =	rddreg [dreg:$0x0]  }
0x2: {  	s7 =	rddreg [dreg:$0x1];
	s1 =	srdreg.scid;
	s3 =	simm.s32 $0x0  }
0x3: {  	s6 =	stileid.u32;
	[smem:$0x7FF] =	sst s3;
	s4 =	sadd.s32 $0xCA400, s0  }
0x4: {  	s23 =	sadd.s32 $0x66400, s0;
	_ =	strace $0x8000004A;
	[dreg:$0x3] =	wrdreg s4  }
0x5: {  	s28 =	simm.s32 $0x12D00;
	s24 =	sadd.s32 $0x2400, s0;
	[dreg:$0x4] =	wrdreg s23  }
0x6: {  	s29 =	simm.s32 $0x13500;
	s15 =	sadd.s32 $0x131500, s0;
	[dreg:$0x5] =	wrdreg s24  }
0x7: {  	s30 =	simm.s32 $0x13D00;
	s17 =	sadd.s32 $0x134600, s0;
	[dreg:$0xe] =	wrdreg s15  }
0x8: {  	s1 =	sand.u32 $0x1, s1;
	s18 =	sadd.s32 $0x137700, s0;
	[dreg:$0xf] =	wrdreg s17  }
0x9: {  	s2 =	smul.u32 $0xC400, s6;
	s9 =	sadd.s32 $0x12E400, s0;
	[dreg:$0x10] =	wrdreg s18  }
0xa: {  	s19 =	sadd.s32 $0x13A800, s0;
	s20 =	sadd.s32 $0x13D900, s0;
	[dreg:$0x6] =	wrdreg s9  }
0xb: {  	s22 =	smul.u32 $0xC4000, s1;
	s25 =	ssub.s32 $0x2, s1;
	[dreg:$0x12] =	wrdreg s19  }
0xc: {  	s1 =	sshll.u32 s1, $0x4;
	[dreg:$0x13] =	wrdreg s20;
	s17 =	sadd.s32 $0x31000, s7  }
0xd: {  	s15 =	sadd.s32 $0x49800, s7;
	s19 =	simm.s32 $0xFD00;
	s5 =	sshrl.u32 s25, $0x1  }
0xe: {  	s1 =	sor.u32 s6, s1;
	s26 =	sshrl.u32 s2, $0x3;
	[dreg:$0x1e] =	wrdreg s15  }
0xf: {  	s31 =	sadd.s32 $0x3100, s2;
	s14 =	sadd.s32 s2, s7;
	[dreg:$0x1f] =	wrdreg s17  }
0x10: {  	s4 =	ssub.s32 s25, s5;
	s5 =	sadd.s32 s9, s26;
	[dreg:$0x8] =	wrdreg s14  }
0x11: {  	s8 =	sadd.s32 $0x6200, s2;
	s6 =	sadd.s32 s31, s7;
	[dreg:$0x7] =	wrdreg s5  }
0x12: {  	s20 =	simm.s32 $0x11500;
	s12 =	sadd.s32 s8, s7;
	[dreg:$0xa] =	wrdreg s6  }
0x13: {  	s3 =	sadd.s32 s2, s22;
	s22 =	sadd.s32 $0x140A00, s0;
	[dreg:$0xc] =	wrdreg s12  }
0x14: {  	s10 =	sshrl.u32 s31, $0x3;
	s26 =	sadd.s32 $0x7A800, s7;
	[dreg:$0x15] =	wrdreg s22  }
0x15: {  	s11 =	sshrl.u32 s8, $0x3;
	s31 =	sadd.s32 $0x62000, s7;
	[dreg:$0x1c] =	wrdreg s26  }
0x16: {  	s2 =	sadd.s32 $0x9300, s2;
	s5 =	sadd.s32 s9, s10;
	[dreg:$0x1d] =	wrdreg s31  }
0x17: {  	s13 =	smul.u32 $0x19000, s1;
	s21 =	sadd.s32 s2, s7;
	[dreg:$0x9] =	wrdreg s5  }
0x18: {  	s3 =	sshrl.u32 s3, $0x3;
	s24 =	smax.u32 s4, $0x1;
	[dreg:$0x14] =	wrdreg s21  }
0x19: {  	s16 =	sshrl.u32 s2, $0x3;
	s12 =	sadd.s32 $0xAB800, s7;
	[dreg:$0x18] =	wrdreg s24  }
0x1a: {  	s10 =	simm.s32 $0x5;
	s22 =	simm.s32 $0x11D00;
	[dreg:$0xd] =	wrdreg s13  }
0x1b: {  	s3 =	sadd.s32 s3, s0;
	s5 =	sadd.s32 s9, s11;
	[dreg:$0x1a] =	wrdreg s12  }
0x1c: {  	s1 =	sadd.s32 s9, s16;
	s0 =	sadd.s32 $0x143B00, s0;
	[dreg:$0xb] =	wrdreg s5  }
0x1d: {  	s25 =	sor.u32 $0x800, s13;
	s16 =	sadd.s32 $0x18800, s7;
	[dreg:$0x11] =	wrdreg s1  }
0x1e: {  	s11 =	sadd.s32 $0x93000, s7;
	s13 =	simm.s32 $0x800;
	[dreg:$0x16] =	wrdreg s0  }
0x1f: {  	s21 =	simm.s32 $0x1;
	s24 =	simm.s32 $0x2;
	[dreg:$0x19] =	wrdreg s25  }
0x20: {  	s9 =	simm.s32 $0x4;
	s23 =	sadd.s32 $0x15F400, s3;
	[dreg:$0x1b] =	wrdreg s11  }
0x21: {  	s5 =	simm.s32 $0xC400;
	s25 =	simm.s32 $0x3;
	[smem:$0x7FD] =	sst s16  }
0x22: {  	s0 =	simm.s32 $0x0;
	[dreg:$0x17] =	wrdreg s23;
	s23 =	simm.s32 $0x12500  }
.LBB2_1:
0x23: {  	s2 =	simm.s32 $0x0;
	s4 =	rddreg [dreg:$0x7]  }
0x24: {  	[tilespmem:s5], [sflag:$0x5] =	stream.linear.gather [hbm4b:s4+s2], $0x3100, $0x38;
	[tilespmem:$0x1A500] =	vst v63  }
0x25: {  	_ =	swait.ge [sflag:s10], $0x3100  }
0x26: {  	[sflag:s10] =	ssyncset.done $0x0  }
0x27: {  	s2 =	simm.s32 $0x0;
	s4 =	simm.s32 $0x40;
	[sflag:s10] =	ssyncadd.s32 $0xFFFFCF00  }
.LBB2_2:
0x28: {  	p0 =	sne.s32 s4, $0xC3C0;
	v0 =	vld [tilespmem:s2+$0xC400];
	_ =	sdelay $0x2  }
.Ltmp0:
0x29: {  	(pc) =	sbr.rel @p0 .LBB2_2-.Ltmp0, $3  }
0x2a: {  	_ = 	snop  }
0x2b: {  	v0 =	vmul.f32 $5.000000000e-01, v0;
	_ =	sdelay $0x1  }
0x2c: {  	[tilespmem:s2+$0xC400] =	vst v0;
	s2 =	sshra.s32 s4, $0x2;
	s4 =	sadd.s32 $0x40, s4  }
0x2d: {  	v0 =	vld [tilespmem:s2+$0xC400];
	_ =	sdelay $0x4  }
0x2e: {  	v0 =	vmul.f32 $5.000000000e-01, v0;
	_ =	sdelay $0x1  }
0x2f: {  	[tilespmem:s2+$0xC400] =	vst v0  }
0x30: {  	[spmem:s14] =	stream.linear.scatter [tilespmem:s5], [sflag:$0x5], $0x3100, $0x38;
	[tilespmem:$0x1A500] =	vst v63  }
0x31: {  	_ =	swait.ge [sflag:s10], $0x3100  }
0x32: {  	[sflag:s10] =	ssyncset.done $0x0  }
0x33: {  	s31 =	simm.s32 $0x0;
	s4 =	rddreg [dreg:$0x9];
	[sflag:s10] =	ssyncadd.s32 $0xFFFFCF00  }
0x34: {  	[tilespmem:s5], [sflag:$0x5] =	stream.linear.gather [hbm4b:s4+s31], $0x3100, $0x38;
	[tilespmem:$0x1A500] =	vst v63  }
0x35: {  	_ =	swait.ge [sflag:s10], $0x3100  }
0x36: {  	[sflag:s10] =	ssyncset.done $0x0  }
0x37: {  	s2 =	simm.s32 $0x0;
	s4 =	simm.s32 $0x40;
	[sflag:s10] =	ssyncadd.s32 $0xFFFFCF00  }
.LBB2_4:
0x38: {  	p0 =	sne.s32 s4, $0xC3C0;
	v0 =	vld [tilespmem:s2+$0xC400];
	_ =	sdelay $0x2  }
.Ltmp1:
0x39: {  	(pc) =	sbr.rel @p0 .LBB2_4-.Ltmp1, $3  }
0x3a: {  	_ = 	snop  }
0x3b: {  	v0 =	vmul.f32 $5.000000000e-01, v0;
	_ =	sdelay $0x1  }
0x3c: {  	[tilespmem:s2+$0xC400] =	vst v0;
	s2 =	sshra.s32 s4, $0x2;
	s4 =	sadd.s32 $0x40, s4  }
0x3d: {  	v0 =	vld [tilespmem:s2+$0xC400];
	_ =	sdelay $0x4  }
0x3e: {  	v0 =	vmul.f32 $5.000000000e-01, v0;
	_ =	sdelay $0x1  }
0x3f: {  	s26 =	rddreg [dreg:$0xa];
	[tilespmem:s2+$0xC400] =	vst v0  }
0x40: {  	[spmem:s26] =	stream.linear.scatter [tilespmem:s5], [sflag:$0x5], $0x3100, $0x38;
	[tilespmem:$0x1A500] =	vst v63  }
0x41: {  	_ =	swait.ge [sflag:s10], $0x3100  }
0x42: {  	[sflag:s10] =	ssyncset.done $0x0  }
0x43: {  	s31 =	simm.s32 $0x0;
	s4 =	rddreg [dreg:$0xb];
	[sflag:s10] =	ssyncadd.s32 $0xFFFFCF00  }
0x44: {  	[tilespmem:s5], [sflag:$0x5] =	stream.linear.gather [hbm4b:s4+s31], $0x3100, $0x38;
	[tilespmem:$0x1A500] =	vst v63  }
0x45: {  	_ =	swait.ge [sflag:s10], $0x3100  }
0x46: {  	[sflag:s10] =	ssyncset.done $0x0  }
0x47: {  	s2 =	simm.s32 $0x0;
	s4 =	simm.s32 $0x40;
	[sflag:s10] =	ssyncadd.s32 $0xFFFFCF00  }
.LBB2_6:
0x48: {  	p0 =	sne.s32 s4, $0xC3C0;
	v0 =	vld [tilespmem:s2+$0xC400];
	_ =	sdelay $0x2  }
.Ltmp2:
0x49: {  	(pc) =	sbr.rel @p0 .LBB2_6-.Ltmp2, $3  }
0x4a: {  	_ = 	snop  }
0x4b: {  	v0 =	vmul.f32 $5.000000000e-01, v0;
	_ =	sdelay $0x1  }
0x4c: {  	[tilespmem:s2+$0xC400] =	vst v0;
	s2 =	sshra.s32 s4, $0x2;
	s4 =	sadd.s32 $0x40, s4  }
0x4d: {  	v0 =	vld [tilespmem:s2+$0xC400];
	_ =	sdelay $0x4  }
0x4e: {  	v0 =	vmul.f32 $5.000000000e-01, v0  }
0x4f: {  	[smem:$0x7FC] =	sst s0  }
0x50: {  	s26 =	rddreg [dreg:$0xc];
	[tilespmem:s2+$0xC400] =	vst v0  }
0x51: {  	[spmem:s26] =	stream.linear.scatter [tilespmem:s5], [sflag:$0x5], $0x3100, $0x38;
	[tilespmem:$0x1A500] =	vst v63  }
0x52: {  	_ =	swait.ge [sflag:s10], $0x3100  }
0x53: {  	[sflag:s10] =	ssyncset.done $0x0  }
0x54: {  	s31 =	simm.s32 $0x0;
	s4 =	rddreg [dreg:$0x11];
	[sflag:s10] =	ssyncadd.s32 $0xFFFFCF00  }
0x55: {  	[tilespmem:s5], [sflag:$0x5] =	stream.linear.gather [hbm4b:s4+s31], $0x3100, $0x38;
	[tilespmem:$0x1A500] =	vst v63  }
0x56: {  	_ =	swait.ge [sflag:s10], $0x3100  }
0x57: {  	[sflag:s10] =	ssyncset.done $0x0  }
0x58: {  	s2 =	simm.s32 $0x0;
	s4 =	simm.s32 $0x40;
	[sflag:s10] =	ssyncadd.s32 $0xFFFFCF00  }
.LBB2_8:
0x59: {  	p0 =	sne.s32 s4, $0xC3C0;
	v0 =	vld [tilespmem:s2+$0xC400];
	_ =	sdelay $0x2  }
.Ltmp3:
0x5a: {  	(pc) =	sbr.rel @p0 .LBB2_8-.Ltmp3, $3  }
0x5b: {  	_ = 	snop  }
0x5c: {  	v0 =	vmul.f32 $5.000000000e-01, v0;
	_ =	sdelay $0x1  }
0x5d: {  	[tilespmem:s2+$0xC400] =	vst v0;
	s2 =	sshra.s32 s4, $0x2;
	s4 =	sadd.s32 $0x40, s4  }
0x5e: {  	v0 =	vld [tilespmem:s2+$0xC400];
	_ =	sdelay $0x4  }
0x5f: {  	v0 =	vmul.f32 $5.000000000e-01, v0;
	_ =	sdelay $0x1  }
0x60: {  	s31 =	rddreg [dreg:$0x14];
	[tilespmem:s2+$0xC400] =	vst v0  }
0x61: {  	[spmem:s31] =	stream.linear.scatter [tilespmem:s5], [sflag:$0x5], $0x3100, $0x38;
	[tilespmem:$0x1A500] =	vst v63  }
0x62: {  	_ =	swait.ge [sflag:s10], $0x3100  }
0x63: {  	s8 =	simm.s32 $0x16500;
	[sflag:s10] =	ssyncset.done $0x0  }
0x64: {  	s14 =	simm.s32 $0x16D00;
	s3 =	simm.s32 $0x17500;
	[sflag:s10] =	ssyncadd.s32 $0xFFFFCF00  }
0x65: {  	s0 =	simm.s32 $0x17D00;
	s2 =	simm.s32 $0x0;
	[bflag:$0x0] =	sbarrier.arrive $0xFFFF  }
.LBB2_10:
0x66: {  	s5 =	sshll.u32 s2, $0xC;
	s4 =	rddreg [dreg:$0xd]  }
0x67: {  	s4 =	sadd.s32 s4, s5  }
0x68: {  	s7 =	rddreg [dreg:$0x3];
	s4 =	sshrl.u32 s4, $0x3  }
0x69: {  	s26 =	simm.s32 $0xF500;
	s1 =	simm.s32 $0x0;
	s6 =	sadd.s32 s7, s4  }
0x6a: {  	[tilespmem:s26], [sflag:$0x5] =	stream.linear.gather [hbm4b:s6+s1], $0x800, $0x38;
	[tilespmem:$0x1A500] =	vst v63  }
0x6b: {  	_ =	swait.ge [sflag:s10], $0x800  }
0x6c: {  	[sflag:s10] =	ssyncset.done $0x0;
	s15 =	rddreg [dreg:$0x4]  }
0x6d: {  	[sflag:s10] =	ssyncadd.s32 $0xFFFFF800;
	s18 =	sadd.s32 s15, s4  }
0x6e: {  	[tilespmem:s19], [sflag:$0x5] =	stream.linear.gather [hbm4b:s18+s1], $0x800, $0x38;
	[tilespmem:$0x1A500] =	vst v63  }
0x6f: {  	_ =	swait.ge [sflag:s10], $0x800  }
0x70: {  	[sflag:s10] =	ssyncset.done $0x0;
	s16 =	rddreg [dreg:$0x5]  }
0x71: {  	s18 =	simm.s32 $0x10500;
	[sflag:s10] =	ssyncadd.s32 $0xFFFFF800;
	s4 =	sadd.s32 s16, s4  }
0x72: {  	[tilespmem:s18], [sflag:$0x5] =	stream.linear.gather [hbm4b:s4+s1], $0x800, $0x38;
	[tilespmem:$0x1A500] =	vst v63  }
0x73: {  	_ =	swait.ge [sflag:s10], $0x800  }
0x74: {  	[sflag:s10] =	ssyncset.done $0x0  }
0x75: {  	s4 =	simm.s32 $0x10D00;
	s17 =	rddreg [dreg:$0x6];
	[sflag:s10] =	ssyncadd.s32 $0xFFFFF800  }
0x76: {  	[tilespmem:s4], [sflag:$0x1] =	stream.indirect.gather [hbm4b:s17+s13], $0x1, s26, s13, $0xb8;
	[tilespmem:$0x1A500] =	vst v63  }
0x77: {  	s19 =	rddreg [dreg:$0xe]  }
0x78: {  	[tilespmem:s20], [sflag:$0x1] =	stream.indirect.gather [hbm4b:s19+s13], $0x1, s26, s13, $0xb8;
	[tilespmem:$0x1A500] =	vst v63  }
0x79: {  	s20 =	rddreg [dreg:$0xf]  }
0x7a: {  	[tilespmem:s22], [sflag:$0x1] =	stream.indirect.gather [hbm4b:s20+s13], $0x1, s26, s13, $0xb8;
	[tilespmem:$0x1A500] =	vst v63  }
0x7b: {  	s22 =	rddreg [dreg:$0x10]  }
0x7c: {  	[tilespmem:s23], [sflag:$0x1] =	stream.indirect.gather [hbm4b:s22+s13], $0x1, s26, s13, $0xb8;
	[tilespmem:$0x1A500] =	vst v63  }
0x7d: {  	s23 =	rddreg [dreg:$0x12]  }
0x7e: {  	[tilespmem:s28], [sflag:$0x1] =	stream.indirect.gather [hbm4b:s23+s13], $0x1, s26, s13, $0xb8;
	[tilespmem:$0x1A500] =	vst v63  }
0x7f: {  	s28 =	rddreg [dreg:$0x13]  }
0x80: {  	[tilespmem:s29], [sflag:$0x1] =	stream.indirect.gather [hbm4b:s28+s13], $0x1, s26, s13, $0xb8;
	[tilespmem:$0x1A500] =	vst v63  }
0x81: {  	s29 =	rddreg [dreg:$0x15]  }
0x82: {  	[tilespmem:s30], [sflag:$0x1] =	stream.indirect.gather [hbm4b:s29+s13], $0x1, s26, s13, $0xb8;
	[tilespmem:$0x1A500] =	vst v63  }
0x83: {  	s6 =	simm.s32 $0x14500;
	s30 =	rddreg [dreg:$0x16]  }
0x84: {  	[tilespmem:s6], [sflag:$0x1] =	stream.indirect.gather [hbm4b:s30+s13], $0x1, s26, s13, $0xb8;
	[tilespmem:$0x1A500] =	vst v63  }
0x85: {  	s6 =	rddreg [dreg:$0x19]  }
0x86: {  	s5 =	sadd.s32 s5, s6  }
0x87: {  	s5 =	sshrl.u32 s5, $0x3  }
0x88: {  	s6 =	sadd.s32 s7, s5;
	s7 =	simm.s32 $0x14D00  }
0x89: {  	[tilespmem:s7], [sflag:$0x5] =	stream.linear.gather [hbm4b:s6+s1], $0x800, $0x38;
	[tilespmem:$0x1A500] =	vst v63  }
0x8a: {  	_ =	swait.ge [sflag:s10], $0x800  }
0x8b: {  	[sflag:s10] =	ssyncset.done $0x0  }
0x8c: {  	s26 =	simm.s32 $0x15500;
	s15 =	sadd.s32 s15, s5;
	[sflag:s10] =	ssyncadd.s32 $0xFFFFF800  }
0x8d: {  	[tilespmem:s26], [sflag:$0x5] =	stream.linear.gather [hbm4b:s15+s1], $0x800, $0x38;
	[tilespmem:$0x1A500] =	vst v63  }
0x8e: {  	_ =	swait.ge [sflag:s10], $0x800  }
0x8f: {  	[sflag:s10] =	ssyncset.done $0x0  }
0x90: {  	s5 =	sadd.s32 s16, s5;
	s16 =	simm.s32 $0x15D00;
	[sflag:s10] =	ssyncadd.s32 $0xFFFFF800  }
0x91: {  	[tilespmem:s16], [sflag:$0x5] =	stream.linear.gather [hbm4b:s5+s1], $0x800, $0x38;
	[tilespmem:$0x1A500] =	vst v63  }
0x92: {  	_ =	swait.ge [sflag:s10], $0x800  }
0x93: {  	[sflag:s10] =	ssyncset.done $0x0  }
0x94: {  	[sflag:s10] =	ssyncadd.s32 $0xFFFFF800  }
0x95: {  	[tilespmem:s8], [sflag:$0x2] =	stream.indirect.gather [hbm4b:s17+s13], $0x1, s7, s13, $0xb8;
	[tilespmem:$0x1A500] =	vst v63  }
0x96: {  	_ = 	snop  }
0x97: {  	[tilespmem:s14], [sflag:$0x2] =	stream.indirect.gather [hbm4b:s19+s13], $0x1, s7, s13, $0xb8;
	[tilespmem:$0x1A500] =	vst v63  }
0x98: {  	_ = 	snop  }
0x99: {  	[tilespmem:s3], [sflag:$0x2] =	stream.indirect.gather [hbm4b:s20+s13], $0x1, s7, s13, $0xb8;
	[tilespmem:$0x1A500] =	vst v63  }
0x9a: {  	_ = 	snop  }
0x9b: {  	[tilespmem:s0], [sflag:$0x2] =	stream.indirect.gather [hbm4b:s22+s13], $0x1, s7, s13, $0xb8;
	[tilespmem:$0x1A500] =	vst v63  }
0x9c: {  	s12 =	simm.s32 $0x18500  }
0x9d: {  	[tilespmem:s12], [sflag:$0x2] =	stream.indirect.gather [hbm4b:s23+s13], $0x1, s7, s13, $0xb8;
	[tilespmem:$0x1A500] =	vst v63  }
0x9e: {  	s31 =	simm.s32 $0x18D00  }
0x9f: {  	[tilespmem:s31], [sflag:$0x2] =	stream.indirect.gather [hbm4b:s28+s13], $0x1, s7, s13, $0xb8;
	[tilespmem:$0x1A500] =	vst v63  }
0xa0: {  	s11 =	simm.s32 $0x19500  }
0xa1: {  	[tilespmem:s11], [sflag:$0x2] =	stream.indirect.gather [hbm4b:s29+s13], $0x1, s7, s13, $0xb8;
	[tilespmem:$0x1A500] =	vst v63  }
0xa2: {  	s31 =	simm.s32 $0x19D00  }
0xa3: {  	[tilespmem:s31], [sflag:$0x2] =	stream.indirect.gather [hbm4b:s30+s13], $0x1, s7, s13, $0xb8;
	[tilespmem:$0x1A500] =	vst v63  }
0xa4: {  	_ =	swait.ge [sflag:s21], $0x800  }
0xa5: {  	[sflag:s21] =	ssyncset.done $0x0  }
0xa6: {  	[sflag:s21] =	ssyncadd.s32 $0xFFFFF800  }
0xa7: {  	_ =	swait.ge [sflag:s21], $0x800  }
0xa8: {  	[sflag:s21] =	ssyncset.done $0x0  }
0xa9: {  	[sflag:s21] =	ssyncadd.s32 $0xFFFFF800  }
0xaa: {  	_ =	swait.ge [sflag:s21], $0x800  }
0xab: {  	[sflag:s21] =	ssyncset.done $0x0  }
0xac: {  	[sflag:s21] =	ssyncadd.s32 $0xFFFFF800  }
0xad: {  	_ =	swait.ge [sflag:s21], $0x800  }
0xae: {  	[sflag:s21] =	ssyncset.done $0x0  }
0xaf: {  	[sflag:s21] =	ssyncadd.s32 $0xFFFFF800  }
0xb0: {  	_ =	swait.ge [sflag:s21], $0x800  }
0xb1: {  	[sflag:s21] =	ssyncset.done $0x0  }
0xb2: {  	[sflag:s21] =	ssyncadd.s32 $0xFFFFF800  }
0xb3: {  	_ =	swait.ge [sflag:s21], $0x800  }
0xb4: {  	[sflag:s21] =	ssyncset.done $0x0  }
0xb5: {  	[sflag:s21] =	ssyncadd.s32 $0xFFFFF800  }
0xb6: {  	_ =	swait.ge [sflag:s21], $0x800  }
0xb7: {  	[sflag:s21] =	ssyncset.done $0x0  }
0xb8: {  	[sflag:s21] =	ssyncadd.s32 $0xFFFFF800  }
0xb9: {  	_ =	swait.ge [sflag:s21], $0x800  }
0xba: {  	[sflag:s21] =	ssyncset.done $0x0  }
0xbb: {  	[sflag:s21] =	ssyncadd.s32 $0xFFFFF800  }
0xbc: {  	v1 =	vld [tilespmem:s4+$0x0]  }
0xbd: {  	v0 =	vld [tilespmem:s18+$0x0];
	_ =	sdelay $0x4  }
0xbe: {  	v1 =	vmul.f32 v1, v0;
	_ =	sdelay $0x1  }
0xbf: {  	s5 =	sand.u32 $0x7F0, s1;
	[tilespmem:s4+$0x0] =	vst v1  }
0xc0: {  	v4 =	vld [tilespmem:s5+$0x11D00]  }
0xc1: {  	v3 =	vld [tilespmem:s5+$0x11500]  }
0xc2: {  	s6 =	simm.s32 $0x10;
	s8 =	simm.s32 $0x16D00;
	v2 =	vld [tilespmem:s5+$0x12500]  }
0xc3: {  	s14 =	simm.s32 $0x17500;
	s3 =	simm.s32 $0x17D00;
	s0 =	simm.s32 $0x16500;
	v1 =	vld [tilespmem:s5+$0x12D00]  }
.LBB2_11:
0xc4: {  	p0 =	sne.s32 s6, $0x7F0;
	v5 =	vld [tilespmem:s5+$0x13500];
	s18 =	sadd.s32 $0x10, s18;
	s4 =	sadd.s32 $0x10, s4  }
0xc5: {  	s7 =	smov.u32 s6;
	s6 =	sadd.s32 $0x10, s6;
	v4 =	vmul.f32 v4, v0;
	v6 =	vld [tilespmem:s5+$0x13D00]  }
0xc6: {  	v3 =	vmul.f32 v3, v0;
	v7 =	vld [tilespmem:s5+$0x14500]  }
0xc7: {  	[tilespmem:s5+$0x11D00] =	vst v4;
	v2 =	vmul.f32 v2, v0  }
0xc8: {  	[tilespmem:s5+$0x11500] =	vst v3;
	v1 =	vmul.f32 v1, v0  }
0xc9: {  	[tilespmem:s5+$0x12500] =	vst v2;
	v2 =	vmul.f32 v5, v0  }
0xca: {  	[tilespmem:s5+$0x12D00] =	vst v1;
	v1 =	vmul.f32 v6, v0  }
0xcb: {  	[tilespmem:s5+$0x13500] =	vst v2;
	v0 =	vmul.f32 v7, v0  }
0xcc: {  	[tilespmem:s5+$0x13D00] =	vst v1  }
0xcd: {  	[tilespmem:s5+$0x14500] =	vst v0  }
0xce: {  	v1 =	vld [tilespmem:s4+$0x0]  }
0xcf: {  	v0 =	vld [tilespmem:s18+$0x0];
	_ =	sdelay $0x4  }
0xd0: {  	v1 =	vmul.f32 v1, v0;
	_ =	sdelay $0x1  }
.Ltmp4:
0xd1: {  	s5 =	sand.u32 $0x7F0, s7;
	[tilespmem:s4+$0x0] =	vst v1;
	(pc) =	sbr.rel @p0 .LBB2_11-.Ltmp4, $4  }
0xd2: {  	v4 =	vld [tilespmem:s5+$0x11D00]  }
0xd3: {  	v3 =	vld [tilespmem:s5+$0x11500]  }
0xd4: {  	v2 =	vld [tilespmem:s5+$0x12500]  }
0xd5: {  	v1 =	vld [tilespmem:s5+$0x12D00]  }
0xd6: {  	v5 =	vld [tilespmem:s5+$0x13500]  }
0xd7: {  	v6 =	vld [tilespmem:s5+$0x13D00];
	v4 =	vmul.f32 v4, v0  }
0xd8: {  	v7 =	vld [tilespmem:s5+$0x14500];
	v3 =	vmul.f32 v3, v0  }
0xd9: {  	[tilespmem:s5+$0x11D00] =	vst v4;
	v2 =	vmul.f32 v2, v0  }
0xda: {  	[tilespmem:s5+$0x11500] =	vst v3;
	v1 =	vmul.f32 v1, v0  }
0xdb: {  	[tilespmem:s5+$0x12500] =	vst v2;
	v2 =	vmul.f32 v5, v0  }
0xdc: {  	[tilespmem:s5+$0x12D00] =	vst v1;
	v1 =	vmul.f32 v6, v0  }
0xdd: {  	v0 =	vmul.f32 v7, v0;
	[tilespmem:s5+$0x13500] =	vst v2  }
0xde: {  	s4 =	rddreg [dreg:$0x1];
	[tilespmem:s5+$0x13D00] =	vst v1  }
0xdf: {  	s19 =	simm.s32 $0xFD00;
	s1 =	simm.s32 $0x10D00;
	s16 =	sld [smem:$0x7FD];
	[tilespmem:s5+$0x14500] =	vst v0  }
0xe0: {  	[spmem:s4] =	stream.indirect.scatter.add.f32 [tilespmem:s1], [sflag:$0x3], $0x1, s19, s13, $0xb8;
	[tilespmem:$0x1A500] =	vst v63  }
0xe1: {  	s20 =	simm.s32 $0x11500  }
0xe2: {  	[spmem:s16] =	stream.indirect.scatter.add.f32 [tilespmem:s20], [sflag:$0x3], $0x1, s19, s13, $0xb8;
	[tilespmem:$0x1A500] =	vst v63  }
0xe3: {  	s17 =	rddreg [dreg:$0x1f];
	s22 =	simm.s32 $0x11D00  }
0xe4: {  	[spmem:s17] =	stream.indirect.scatter.add.f32 [tilespmem:s22], [sflag:$0x3], $0x1, s19, s13, $0xb8;
	[tilespmem:$0x1A500] =	vst v63  }
0xe5: {  	s15 =	rddreg [dreg:$0x1e];
	s23 =	simm.s32 $0x12500  }
0xe6: {  	[spmem:s15] =	stream.indirect.scatter.add.f32 [tilespmem:s23], [sflag:$0x3], $0x1, s19, s13, $0xb8;
	[tilespmem:$0x1A500] =	vst v63  }
0xe7: {  	s31 =	rddreg [dreg:$0x1d];
	s28 =	simm.s32 $0x12D00  }
0xe8: {  	[spmem:s31] =	stream.indirect.scatter.add.f32 [tilespmem:s28], [sflag:$0x3], $0x1, s19, s13, $0xb8;
	[tilespmem:$0x1A500] =	vst v63  }
0xe9: {  	s29 =	simm.s32 $0x13500;
	s1 =	rddreg [dreg:$0x1c]  }
0xea: {  	[spmem:s1] =	stream.indirect.scatter.add.f32 [tilespmem:s29], [sflag:$0x3], $0x1, s19, s13, $0xb8;
	[tilespmem:$0x1A500] =	vst v63  }
0xeb: {  	s11 =	rddreg [dreg:$0x1b];
	s30 =	simm.s32 $0x13D00  }
0xec: {  	[spmem:s11] =	stream.indirect.scatter.add.f32 [tilespmem:s30], [sflag:$0x3], $0x1, s19, s13, $0xb8;
	[tilespmem:$0x1A500] =	vst v63  }
0xed: {  	s12 =	rddreg [dreg:$0x1a];
	s6 =	simm.s32 $0x14500  }
0xee: {  	[spmem:s12] =	stream.indirect.scatter.add.f32 [tilespmem:s6], [sflag:$0x3], $0x1, s19, s13, $0xb8;
	[tilespmem:$0x1A500] =	vst v63  }
0xef: {  	_ =	swait.ge [sflag:s24], $0x800  }
0xf0: {  	[sflag:s24] =	ssyncset.done $0x0  }
0xf1: {  	[sflag:s24] =	ssyncadd.s32 $0xFFFFF800  }
0xf2: {  	_ =	swait.ge [sflag:s24], $0x800  }
0xf3: {  	[sflag:s24] =	ssyncset.done $0x0  }
0xf4: {  	[sflag:s24] =	ssyncadd.s32 $0xFFFFF800  }
0xf5: {  	_ =	swait.ge [sflag:s24], $0x800  }
0xf6: {  	[sflag:s24] =	ssyncset.done $0x0  }
0xf7: {  	[sflag:s24] =	ssyncadd.s32 $0xFFFFF800  }
0xf8: {  	_ =	swait.ge [sflag:s24], $0x800  }
0xf9: {  	[sflag:s24] =	ssyncset.done $0x0  }
0xfa: {  	[sflag:s24] =	ssyncadd.s32 $0xFFFFF800  }
0xfb: {  	_ =	swait.ge [sflag:s24], $0x800  }
0xfc: {  	[sflag:s24] =	ssyncset.done $0x0  }
0xfd: {  	[sflag:s24] =	ssyncadd.s32 $0xFFFFF800  }
0xfe: {  	_ =	swait.ge [sflag:s24], $0x800  }
0xff: {  	[sflag:s24] =	ssyncset.done $0x0  }
0x100: {  	[sflag:s24] =	ssyncadd.s32 $0xFFFFF800  }
0x101: {  	_ =	swait.ge [sflag:s24], $0x800  }
0x102: {  	[sflag:s24] =	ssyncset.done $0x0  }
0x103: {  	[sflag:s24] =	ssyncadd.s32 $0xFFFFF800  }
0x104: {  	_ =	swait.ge [sflag:s24], $0x800  }
0x105: {  	[sflag:s24] =	ssyncset.done $0x0  }
0x106: {  	s4 =	simm.s32 $0x16500;
	[sflag:s24] =	ssyncadd.s32 $0xFFFFF800  }
0x107: {  	s18 =	simm.s32 $0x15D00;
	v1 =	vld [tilespmem:s4+$0x0]  }
0x108: {  	v0 =	vld [tilespmem:s18+$0x0];
	_ =	sdelay $0x4  }
0x109: {  	v1 =	vmul.f32 v1, v0  }
0x10a: {  	s7 =	simm.s32 $0x0  }
0x10b: {  	s5 =	sand.u32 $0x7F0, s7;
	[tilespmem:s4+$0x0] =	vst v1  }
0x10c: {  	v4 =	vld [tilespmem:s5+$0x17500]  }
0x10d: {  	v3 =	vld [tilespmem:s5+$0x16D00]  }
0x10e: {  	v2 =	vld [tilespmem:s5+$0x17D00]  }
0x10f: {  	s6 =	simm.s32 $0x10;
	v1 =	vld [tilespmem:s5+$0x18500]  }
.LBB2_13:
0x110: {  	p0 =	sne.s32 s6, $0x7F0;
	v5 =	vld [tilespmem:s5+$0x18D00];
	s18 =	sadd.s32 $0x10, s18;
	s4 =	sadd.s32 $0x10, s4  }
0x111: {  	s7 =	smov.u32 s6;
	s6 =	sadd.s32 $0x10, s6;
	v4 =	vmul.f32 v4, v0;
	v6 =	vld [tilespmem:s5+$0x19500]  }
0x112: {  	v3 =	vmul.f32 v3, v0;
	v7 =	vld [tilespmem:s5+$0x19D00]  }
0x113: {  	[tilespmem:s5+$0x17500] =	vst v4;
	v2 =	vmul.f32 v2, v0  }
0x114: {  	[tilespmem:s5+$0x16D00] =	vst v3;
	v1 =	vmul.f32 v1, v0  }
0x115: {  	[tilespmem:s5+$0x17D00] =	vst v2;
	v2 =	vmul.f32 v5, v0  }
0x116: {  	[tilespmem:s5+$0x18500] =	vst v1;
	v1 =	vmul.f32 v6, v0  }
0x117: {  	[tilespmem:s5+$0x18D00] =	vst v2;
	v0 =	vmul.f32 v7, v0  }
0x118: {  	[tilespmem:s5+$0x19500] =	vst v1  }
0x119: {  	[tilespmem:s5+$0x19D00] =	vst v0  }
0x11a: {  	v1 =	vld [tilespmem:s4+$0x0]  }
0x11b: {  	v0 =	vld [tilespmem:s18+$0x0];
	_ =	sdelay $0x4  }
0x11c: {  	v1 =	vmul.f32 v1, v0;
	_ =	sdelay $0x1  }
.Ltmp5:
0x11d: {  	s5 =	sand.u32 $0x7F0, s7;
	[tilespmem:s4+$0x0] =	vst v1;
	(pc) =	sbr.rel @p0 .LBB2_13-.Ltmp5, $4  }
0x11e: {  	v4 =	vld [tilespmem:s5+$0x17500]  }
0x11f: {  	v3 =	vld [tilespmem:s5+$0x16D00]  }
0x120: {  	v2 =	vld [tilespmem:s5+$0x17D00]  }
0x121: {  	v1 =	vld [tilespmem:s5+$0x18500]  }
0x122: {  	v5 =	vld [tilespmem:s5+$0x18D00]  }
0x123: {  	v6 =	vld [tilespmem:s5+$0x19500];
	v4 =	vmul.f32 v4, v0  }
0x124: {  	v7 =	vld [tilespmem:s5+$0x19D00];
	v3 =	vmul.f32 v3, v0  }
0x125: {  	[tilespmem:s5+$0x17500] =	vst v4;
	v2 =	vmul.f32 v2, v0  }
0x126: {  	[tilespmem:s5+$0x16D00] =	vst v3;
	v1 =	vmul.f32 v1, v0  }
0x127: {  	[tilespmem:s5+$0x17D00] =	vst v2;
	v61 =	vmul.f32 v5, v0  }
0x128: {  	v62 =	vmul.f32 v6, v0;
	[tilespmem:s5+$0x18500] =	vst v1  }
0x129: {  	v63 =	vmul.f32 v7, v0;
	[tilespmem:s5+$0x18D00] =	vst v61  }
0x12a: {  	[tilespmem:s5+$0x19500] =	vst v62  }
0x12b: {  	s4 =	rddreg [dreg:$0x1];
	[tilespmem:s5+$0x19D00] =	vst v63  }
0x12c: {  	[spmem:s4] =	stream.indirect.scatter.add.f32 [tilespmem:s0], [sflag:$0x4], $0x1, s26, s13, $0xb8;
	[tilespmem:$0x1A500] =	vst v63  }
0x12d: {  	_ = 	snop  }
0x12e: {  	[spmem:s16] =	stream.indirect.scatter.add.f32 [tilespmem:s8], [sflag:$0x4], $0x1, s26, s13, $0xb8;
	[tilespmem:$0x1A500] =	vst v63  }
0x12f: {  	_ = 	snop  }
0x130: {  	[spmem:s17] =	stream.indirect.scatter.add.f32 [tilespmem:s14], [sflag:$0x4], $0x1, s26, s13, $0xb8;
	[tilespmem:$0x1A500] =	vst v63  }
0x131: {  	_ = 	snop  }
0x132: {  	[spmem:s15] =	stream.indirect.scatter.add.f32 [tilespmem:s3], [sflag:$0x4], $0x1, s26, s13, $0xb8;
	[tilespmem:$0x1A500] =	vst v63  }
0x133: {  	s16 =	simm.s32 $0x18500  }
0x134: {  	[spmem:s31] =	stream.indirect.scatter.add.f32 [tilespmem:s16], [sflag:$0x4], $0x1, s26, s13, $0xb8;
	[tilespmem:$0x1A500] =	vst v63  }
0x135: {  	s17 =	simm.s32 $0x18D00  }
0x136: {  	[spmem:s1] =	stream.indirect.scatter.add.f32 [tilespmem:s17], [sflag:$0x4], $0x1, s26, s13, $0xb8;
	[tilespmem:$0x1A500] =	vst v63  }
0x137: {  	s18 =	simm.s32 $0x19500  }
0x138: {  	[spmem:s11] =	stream.indirect.scatter.add.f32 [tilespmem:s18], [sflag:$0x4], $0x1, s26, s13, $0xb8;
	[tilespmem:$0x1A500] =	vst v63  }
0x139: {  	s31 =	simm.s32 $0x19D00  }
0x13a: {  	[spmem:s12] =	stream.indirect.scatter.add.f32 [tilespmem:s31], [sflag:$0x4], $0x1, s26, s13, $0xb8;
	[tilespmem:$0x1A500] =	vst v63  }
0x13b: {  	_ =	swait.ge [sflag:s25], $0x800  }
0x13c: {  	[sflag:s25] =	ssyncset.done $0x0  }
0x13d: {  	[sflag:s25] =	ssyncadd.s32 $0xFFFFF800  }
0x13e: {  	_ =	swait.ge [sflag:s25], $0x800  }
0x13f: {  	[sflag:s25] =	ssyncset.done $0x0  }
0x140: {  	[sflag:s25] =	ssyncadd.s32 $0xFFFFF800  }
0x141: {  	_ =	swait.ge [sflag:s25], $0x800  }
0x142: {  	[sflag:s25] =	ssyncset.done $0x0  }
0x143: {  	[sflag:s25] =	ssyncadd.s32 $0xFFFFF800  }
0x144: {  	_ =	swait.ge [sflag:s25], $0x800  }
0x145: {  	[sflag:s25] =	ssyncset.done $0x0  }
0x146: {  	[sflag:s25] =	ssyncadd.s32 $0xFFFFF800  }
0x147: {  	_ =	swait.ge [sflag:s25], $0x800  }
0x148: {  	[sflag:s25] =	ssyncset.done $0x0  }
0x149: {  	[sflag:s25] =	ssyncadd.s32 $0xFFFFF800  }
0x14a: {  	_ =	swait.ge [sflag:s25], $0x800  }
0x14b: {  	[sflag:s25] =	ssyncset.done $0x0  }
0x14c: {  	[sflag:s25] =	ssyncadd.s32 $0xFFFFF800  }
0x14d: {  	_ =	swait.ge [sflag:s25], $0x800  }
0x14e: {  	[sflag:s25] =	ssyncset.done $0x0  }
0x14f: {  	[sflag:s25] =	ssyncadd.s32 $0xFFFFF800  }
0x150: {  	_ =	swait.ge [sflag:s25], $0x800  }
0x151: {  	[sflag:s25] =	ssyncset.done $0x0  }
0x152: {  	[sflag:s25] =	ssyncadd.s32 $0xFFFFF800  }
0x153: {  	_ =	swait.ge [sflag:s9], $0x800  }
0x154: {  	[sflag:s9] =	ssyncset.done $0x0  }
0x155: {  	[sflag:s9] =	ssyncadd.s32 $0xFFFFF800  }
0x156: {  	_ =	swait.ge [sflag:s9], $0x800  }
0x157: {  	[sflag:s9] =	ssyncset.done $0x0  }
0x158: {  	[sflag:s9] =	ssyncadd.s32 $0xFFFFF800  }
0x159: {  	_ =	swait.ge [sflag:s9], $0x800  }
0x15a: {  	[sflag:s9] =	ssyncset.done $0x0  }
0x15b: {  	[sflag:s9] =	ssyncadd.s32 $0xFFFFF800  }
0x15c: {  	_ =	swait.ge [sflag:s9], $0x800  }
0x15d: {  	[sflag:s9] =	ssyncset.done $0x0  }
0x15e: {  	[sflag:s9] =	ssyncadd.s32 $0xFFFFF800  }
0x15f: {  	_ =	swait.ge [sflag:s9], $0x800  }
0x160: {  	[sflag:s9] =	ssyncset.done $0x0  }
0x161: {  	[sflag:s9] =	ssyncadd.s32 $0xFFFFF800  }
0x162: {  	_ =	swait.ge [sflag:s9], $0x800  }
0x163: {  	[sflag:s9] =	ssyncset.done $0x0  }
0x164: {  	s2 =	sadd.s32 $0x1, s2;
	[sflag:s9] =	ssyncadd.s32 $0xFFFFF800  }
0x165: {  	p0 =	sne.s32 s2, $0x19;
	_ =	swait.ge [sflag:s9], $0x800  }
.Ltmp6:
0x166: {  	[sflag:s9] =	ssyncset.done $0x0;
	(pc) =	sbr.rel @p0 .LBB2_10-.Ltmp6, $4  }
0x167: {  	[sflag:s9] =	ssyncadd.s32 $0xFFFFF800  }
0x168: {  	_ =	swait.ge [sflag:s9], $0x800  }
0x169: {  	s0 =	simm.s32 $0x17D00;
	s8 =	simm.s32 $0x16500;
	[sflag:s9] =	ssyncset.done $0x0  }
0x16a: {  	s14 =	simm.s32 $0x16D00;
	s3 =	simm.s32 $0x17500;
	[sflag:s9] =	ssyncadd.s32 $0xFFFFF800  }
0x16b: {  	s2 =	stileid.u32;
	[bflag:$0x0] =	sbarrier.arrive $0xFFFF  }
0x16c: {  	s2 =	sshll.u32 s2, $0x6;
	s14 =	rddreg [dreg:$0x8]  }
0x16d: {  	s5 =	rddreg [dreg:$0x17];
	s2 =	sor.u32 $0x1C05, s2;
	s4 =	sshrl.u32 s14, $0x3  }
0x16e: {  	[hbm:s5], [sflag:s2] =	dma.local [spmem:s4], $0x1880  }
0x16f: {  	_ =	swait.ge [sflag:s10], $0x1880  }
0x170: {  	s0 =	sld [smem:$0x7FC];
	_ =	sdelay $0x2  }
0x171: {  	s31 =	rddreg [dreg:$0x18];
	s0 =	sadd.s32 $0x1, s0  }
0x172: {  	p0 =	sne.s32 s0, s31  }
.Ltmp7:
0x173: {  	_ = 	snop;
	(pc) =	sbr.rel @p0 .LBB2_1-.Ltmp7, $3  }
0x174: {  	_ =	sdelay $0x1  }
0x175: {  	[sflag:s10] =	ssyncset.done $0x0  }
0x176: {  	s5 =	simm.s32 $0xC400;
	[sflag:s10] =	ssyncadd.s32 $0xFFFFE780  }
0x177: {  	_ =	sfence.sel $0x180000  }
0x178: {  	[bflag:$0x0] =	sbarrier.arrive $0xFFFF  }
0x179: {  	_ =	strace $0x9000004A  }
0x17a: {  	s0 =	stileid.u32;
	[bflag:$0x2] =	sbarrier.arrive $0xFFFF  }
0x17b: {  	p0 =	sne.s32 s0, $0x0;
	s0 =	rddreg [dreg:$0x2]  }
0x17c: {  	s0 =	sadd.s32 @!p0 $0x100000, s0  }
0x17d: {  	[sflag:s0] =	ssyncadd.tile.s32 @!p0 $0x1;
	_ =	shalt  }
.Lfunc_end2:
_tile_overlayer_lowered:
.L_overlay_start_2:
0x17e: {  	(tag) =	ssettag $0x2  }
0x17f: {  	s0 =	rddreg [dreg:$0x0];
	s2 =	stileid.u32  }
0x180: {  	s1 =	rddreg [dreg:$0x1];
	p0 =	sne.s32 s2, $0x0  }
0x181: {  	s3 =	rddreg [dreg:$0x2];
	[bflag:$0x3] =	sbarrier.arrive $0xFFFF;
	s2 =	simm.s32 @!p0 $0x1C05  }
0x182: {  	[timem:s3], [sflag:s2] =	dma.local @!p0 [hbm:s0], s1  }
0x183: {  	s0 =	simm.s32 @!p0 $0x5  }
0x184: {  	_ =	swait.ge @!p0 [sflag:s0], s1  }
0x185: {  	s1 =	ssub.s32 @!p0 $0x0, s1;
	[sflag:s0] =	ssyncset.done @!p0 $0x0  }
0x186: {  	[sflag:s0] =	ssyncadd.s32 @!p0 s1  }
0x187: {  	[bflag:$0x3] =	sbarrier.arrive $0xFFFF  }
0x188: {  	_ =	shalt  }

// kernel: kernel.7.cloned.1.call-start
scs
__scs_entry_jumppad:
0x0: {  	(pc) =	sbr.rel $0x88, $3  }
0x1: {  	(tag) =	ssettag $0x0;
	lr =	simm.s32 $0x1  }
0x2: {  	[smem:$0x3F96] =	sst lr;
	_ =	strace $0xD0000000  }
0x3: {  	_ = 	snop  }
0x4: {  	_ = 	snop  }
0x5: {  	_ = 	snop  }
0x6: {  	_ = 	snop  }
0x7: {  	_ = 	snop  }
__scs_overlays_trampoline_lowered:
0x8: {  	[smem:$0x3FA5] =	sst s0  }
0x9: {  	[smem:$0x3FA6] =	sst s1  }
0xa: {  	[smem:$0x3FA7] =	sst s2  }
0xb: {  	[smem:$0x3FA8] =	sst s3  }
0xc: {  	[smem:$0x3FA9] =	sst s4  }
0xd: {  	[smem:$0x3FAA] =	sst s5  }
0xe: {  	[smem:$0x3FAB] =	sst s6  }
0xf: {  	[smem:$0x3FAC] =	sst s7  }
0x10: {  	[smem:$0x3FAD] =	sst s8  }
0x11: {  	[smem:$0x3FAE] =	sst s9;
	s0 =	simm.s32 @!p0 $0x0  }
0x12: {  	s1 =	sld [smem:$0x3F94];
	s0 =	simm.s32 @p0 $0x1  }
0x13: {  	[smem:$0x3FAF] =	sst s0;
	s0 =	simm.s32 @!p1 $0x0  }
0x14: {  	s2 =	sld [smem:$0x3F93];
	s0 =	simm.s32 @p1 $0x1  }
0x15: {  	[smem:$0x3FB0] =	sst s0;
	s0 =	simm.s32 @!p2 $0x0  }
0x16: {  	s3 =	sld [smem:$0x3FDB];
	s0 =	simm.s32 @p2 $0x1  }
0x17: {  	s4 =	simm.s32 $0x1BF5;
	[smem:$0x3FB2] =	sst s0  }
0x18: {  	s0 =	sld [smem:$0x3F95];
	_ =	swait.ge [sflag:s4], $0x0  }
0x19: {  	s7 =	sld [smem:$0x3F96]  }
0x1a: {  	s8 =	sadd.s32 $0xFFFFE003, lr  }
0x1b: {  	s9 =	sadd.s32 $0xFFFFFEF7, lr;
	s5 =	simm.s32 $0xFFFFFFFF;
	p2 =	slt.u32 s8, $0xFFFFF086  }
0x1c: {  	p1 =	slt.u32 s9, $0xF7A;
	s5 =	simm.s32 @!p2 $0x0  }
0x1d: {  	s5 =	simm.s32 @p1 $0x1;
	p0 =	seq.s32 s7, s2  }
0x1e: {  	s7 =	smul.u32 @!p0 $0xF7A, s2;
	p2 =	seq.s32 @!p0 s5, $0x0  }
0x1f: {  	s9 =	smul.u32 $0xF7A, s1;
	s8 =	simm.s32 @!p0 $0x1BF5;
	p2 =	por !p2, p0  }
0x20: {  	[sflag:s8] =	ssyncset.s32 @!p0 $0xFFFFF086;
	s6 =	sadd.s32 @!p0 s3, s7;
	s7 =	simm.s32 @!p0 $0x108  }
0x21: {  	s3 =	sadd.s32 s3, s9;
	s6 =	sadd.s32 @!p0 $0x88, s6;
	s7 =	simm.s32 @p2 $0x1082  }
0x22: {  	[simem:s7], [sflag:s8] =	dma.local @!p0 [hbm:s6], $0xF7A  }
0x23: {  	s9 =	sor.u32 $0xD0000000, s2;
	s6 =	simm.s32 $0x108;
	_ =	swait.ge @!p0 [sflag:s8], $0x0  }
0x24: {  	s3 =	sadd.s32 $0x88, s3;
	s6 =	simm.s32 @!p1 $0x1082;
	[sflag:s4] =	ssyncset.s32 $0xFFFFF086  }
0x25: {  	[simem:s6], [sflag:s4] =	dma.local [hbm:s3], $0xF7A  }
0x26: {  	[smem:$0x3F96] =	sst s1;
	(tag) =	ssettag s2;
	_ =	strace s9  }
0x27: {  	s1 =	sld [smem:$0x3FA6]  }
0x28: {  	s2 =	sld [smem:$0x3FA7]  }
0x29: {  	s4 =	sld [smem:$0x3FA9]  }
0x2a: {  	p0 =	seq.s32 s5, $0x0;
	s5 =	sld [smem:$0x3FAA]  }
0x2b: {  	s6 =	sld [smem:$0x3FAB]  }
0x2c: {  	s7 =	sld [smem:$0x3FAC]  }
0x2d: {  	s3 =	simm.s32 $0x108;
	s8 =	sld [smem:$0x3FAD]  }
0x2e: {  	s3 =	simm.s32 @!p0 $0x1082;
	s9 =	sld [smem:$0x3FAE]  }
0x2f: {  	lr =	sadd.s32 s0, s3;
	s0 =	sld [smem:$0x3FA5]  }
0x30: {  	s3 =	sld [smem:$0x3FA8]  }
0x31: {  	[smem:$0x3FB1] =	sst s10  }
0x32: {  	s10 =	sld [smem:$0x3FAF];
	_ =	sdelay $0x3  }
0x33: {  	p0 =	seq.s32 s10, $0x1;
	s10 =	sld [smem:$0x3FB1];
	_ =	sdelay $0x3  }
0x34: {  	[smem:$0x3FB1] =	sst s10  }
0x35: {  	s10 =	sld [smem:$0x3FB0];
	_ =	sdelay $0x3  }
0x36: {  	p1 =	seq.s32 s10, $0x1;
	s10 =	sld [smem:$0x3FB1];
	_ =	sdelay $0x3  }
0x37: {  	[smem:$0x3FB1] =	sst s10  }
0x38: {  	s10 =	sld [smem:$0x3FB2]  }
0x39: {  	_ = 	snop;
	(pc) =	sbr.ind lr, $3  }
0x3a: {  	_ = 	snop  }
0x3b: {  	_ = 	snop  }
0x3c: {  	p2 =	seq.s32 s10, $0x1;
	s10 =	sld [smem:$0x3FB1]  }
0x3d: {  	_ =	shalt  }
0x3e: {  	_ =	shalt  }
0x3f: {  	_ =	shalt  }
0x40: {  	_ =	shalt  }
0x41: {  	_ =	shalt  }
0x42: {  	_ =	shalt  }
0x43: {  	_ =	shalt  }
0x44: {  	_ =	shalt  }
0x45: {  	_ =	shalt  }
0x46: {  	_ =	shalt  }
0x47: {  	_ =	shalt  }
0x48: {  	_ =	shalt  }
0x49: {  	_ =	shalt  }
0x4a: {  	_ =	shalt  }
0x4b: {  	_ =	shalt  }
0x4c: {  	_ =	shalt  }
0x4d: {  	_ =	shalt  }
0x4e: {  	_ =	shalt  }
0x4f: {  	_ =	shalt  }
0x50: {  	_ =	shalt  }
0x51: {  	_ =	shalt  }
0x52: {  	_ =	shalt  }
0x53: {  	_ =	shalt  }
0x54: {  	_ =	shalt  }
0x55: {  	_ =	shalt  }
0x56: {  	_ =	shalt  }
0x57: {  	_ =	shalt  }
0x58: {  	_ =	shalt  }
0x59: {  	_ =	shalt  }
0x5a: {  	_ =	shalt  }
0x5b: {  	_ =	shalt  }
0x5c: {  	_ =	shalt  }
0x5d: {  	_ =	shalt  }
0x5e: {  	_ =	shalt  }
0x5f: {  	_ =	shalt  }
0x60: {  	_ =	shalt  }
0x61: {  	_ =	shalt  }
0x62: {  	_ =	shalt  }
0x63: {  	_ =	shalt  }
0x64: {  	_ =	shalt  }
0x65: {  	_ =	shalt  }
0x66: {  	_ =	shalt  }
0x67: {  	_ =	shalt  }
0x68: {  	_ =	shalt  }
0x69: {  	_ =	shalt  }
0x6a: {  	_ =	shalt  }
0x6b: {  	_ =	shalt  }
0x6c: {  	_ =	shalt  }
0x6d: {  	_ =	shalt  }
0x6e: {  	_ =	shalt  }
0x6f: {  	_ =	shalt  }
0x70: {  	_ =	shalt  }
0x71: {  	_ =	shalt  }
0x72: {  	_ =	shalt  }
0x73: {  	_ =	shalt  }
0x74: {  	_ =	shalt  }
0x75: {  	_ =	shalt  }
0x76: {  	_ =	shalt  }
0x77: {  	_ =	shalt  }
0x78: {  	_ =	shalt  }
0x79: {  	_ =	shalt  }
0x7a: {  	_ =	shalt  }
0x7b: {  	_ =	shalt  }
0x7c: {  	_ =	shalt  }
0x7d: {  	_ =	shalt  }
0x7e: {  	_ =	shalt  }
0x7f: {  	_ =	shalt  }
0x80: {  	_ =	shalt  }
0x81: {  	_ =	shalt  }
0x82: {  	_ =	shalt  }
0x83: {  	_ =	shalt  }
0x84: {  	_ =	shalt  }
0x85: {  	_ =	shalt  }
0x86: {  	_ =	shalt  }
0x87: {  	_ =	shalt  }
.Lfunc_end0:
.L_simem_size_0:
called_computation_lowered:
.L_overlay_start_0:
0x88: {  	s2 =	sld [smem:$0x3FD9]  }
0x89: {  	s3 =	sld [smem:$0x3FFE];
	_ =	sdelay $0x1  }
0x8a: {  	s1 =	srdreg.scid  }
0x8b: {  	s0 =	sand.u32 $0x1, s1  }
0x8c: {  	s16 =	sshll.u32 s0, $0xA;
	s2 =	sadd.s32 s3, s2  }
0x8d: {  	s2 =	sadd.s32 s2, s16  }
0x8e: {  	[smem:$0x3FBD] =	sst s2  }
0x8f: {  	_ = 	snop  }
0x90: {  	(tm) =	ssettm $0x1  }
0x91: {  	s17 =	sld [smem:$0x3FFB];
	_ =	sdelay $0x3  }
0x92: {  	_ =	strace s17  }
0x93: {  	s2 =	sld [smem:$0x3FFC];
	_ =	sdelay $0x3  }
0x94: {  	_ =	strace s2  }
0x95: {  	s2 =	sld [smem:$0x3FFD];
	_ =	sdelay $0x3  }
0x96: {  	_ =	strace s2  }
0x97: {  	_ =	strace $0x8FFFFFFF  }
0x98: {  	s18 =	sld [smem:$0x3FDB];
	_ =	sdelay $0x1  }
0x99: {  	s19 =	simm.s32 $_scs_section_size  }
0x9a: {  	s4 =	simm.s32 $_size__tile_overlayer_lowered;
	s5 =	simm.s32 $_tile_overlayer_lowered  }
0x9b: {  	s22 =	simm.s32 $0x1BFF;
	s21 =	sshll.u32 s5, $0x1;
	s2 =	sadd.s32 s19, s18  }
0x9c: {  	s6 =	simm.s32 $0x0;
	s20 =	sshll.u32 s4, $0x1;
	s4 =	sadd.s32 s21, s2  }
0x9d: {  	[timem:s6], [sflag:s22] =	dma.local [hbm:s4], s20  }
0x9e: {  	_ =	swait.ge [sflag:s22], s20  }
0x9f: {  	s3 =	ssub.s32 $0x0, s20;
	[sflag:s22] =	ssyncset.done $0x0  }
0xa0: {  	[sflag:s22] =	ssyncadd.s32 s3;
	_ =	sdelay $0x1  }
0xa1: {  	s23 =	simm.s32 $0x1B8B  }
0xa2: {  	_ =	swait.ge [sflag:s23], $0x1  }
0xa3: {  	[sflag:s23] =	ssyncset.done $0x0  }
0xa4: {  	s25 =	simm.s32 $0x1B8E;
	s24 =	sld [smem:$0x3FFE];
	[sflag:s23] =	ssyncadd.s32 $0xFFFFFFFF  }
0xa5: {  	s26 =	simm.s32 $execute0_lowered;
	[smem:$0x3FD2] =	sst s25  }
0xa6: {  	s4 =	sshll.u32 s26, $0x1;
	_ =	strace $0x80000046;
	[dreg:$0x1] =	wrdreg $0xFFFFFFFF  }
0xa7: {  	s28 =	simm.s32 $_size_execute0_lowered;
	s2 =	sadd.s32 s2, s4;
	[dreg:$0x0] =	wrdreg $0x0  }
0xa8: {  	s4 =	sshll.u32 s28, $0x1;
	[dreg:$0x2] =	wrdreg s2  }
0xa9: {  	[dreg:$0x3] =	wrdreg s4  }
0xaa: {  	[dreg:$0x4] =	wrdreg $0xC0  }
0xab: {  	_ =	task [dreg:s6], $0x5FFFF  }
0xac: {  	[dreg:$0x1] =	wrdreg $0xFFFFFFFF  }
0xad: {  	[dreg:$0x0] =	wrdreg $0x60  }
0xae: {  	[dreg:$0x2] =	wrdreg s24  }
0xaf: {  	[dreg:$0x3] =	wrdreg $0x0  }
0xb0: {  	[dreg:$0x4] =	wrdreg $0x9  }
0xb1: {  	_ =	task.clear_ibuf [dreg:s6], $0x5FFFF;
	_ =	strace $0x90000046  }
0xb2: {  	s29 =	simm.s32 $0x9;
	_ =	strace $0x80000048  }
0xb3: {  	_ =	swait.ge [sflag:s29], $0x1  }
0xb4: {  	[sflag:s29] =	ssyncadd.s32 $0xFFFFFFFF  }
0xb5: {  	_ =	strace $0x90000048  }
0xb6: {  	_ =	sfence  }
0xb7: {  	s30 =	sld [smem:$0x0];
	_ =	sdelay $0x2  }
0xb8: {  	s31 =	sshll.u32 s1, $0xD;
	s1 =	sshrl.u32 s1, $0x2  }
0xb9: {  	s3 =	sand.u32 $0x4000, s31;
	s1 =	sadd.s32 s1, s30  }
0xba: {  	s0 =	sor.u32 s3, s0;
	s1 =	sshll.u32 s1, $0x11  }
0xbb: {  	s0 =	sor.u32 s1, s0  }
0xbc: {  	s0 =	sadd.s32 $0x8F2B, s0  }
0xbd: {  	[sflag:s0] =	ssyncadd.remote.s32 $0x1  }
0xbe: {  	_ =	sfence.sel $0xFFFF  }
0xbf: {  	[dreg:$0x0] =	wrdreg $0xFFFFFFFF;
	(pc) =	sbr.abs _section_cstart, $3  }
0xc0: {  	[dreg:$0x1] =	wrdreg $0xFFFFFFFF  }
0xc1: {  	_ =	task.clear_ibuf [dreg:s6], $0x2FFFF;
	_ =	strace $0x9FFFFFFF  }
0xc2: {  	(tm) =	ssettm $0x7FFFFFFF  }
0xc3: {  	_ =	shalt  }
tec
execute0_lowered:
.L_overlay_start_1:
0x0: {  	(tag) =	ssettag $0x1  }
0x1: {  	s6 =	rddreg [dreg:$0x0]  }
0x2: {  	s0 =	srdreg.scid;
	s2 =	rddreg [dreg:$0x1]  }
0x3: {  	s1 =	rddreg [dreg:$0x2];
	s3 =	simm.s32 $0x0;
	s10 =	simm.s32 $0x2  }
0x4: {  	s11 =	simm.s32 $0x1880;
	s12 =	simm.s32 $0x2080;
	s4 =	sand.u32 $0x1, s0  }
0x5: {  	s13 =	simm.s32 $0x800;
	s0 =	stileid.u32;
	s5 =	smul.u32 $0x190000, s4  }
0x6: {  	s14 =	simm.s32 $0x2880;
	s15 =	simm.s32 $0x3080;
	s7 =	smul.u32 $0x19000, s0  }
0x7: {  	s16 =	simm.s32 $0x1;
	s19 =	simm.s32 $0x0;
	s8 =	smul.u32 $0x1880, s0  }
0x8: {  	[smem:$0x7FF] =	sst s3;
	s9 =	smul.u32 $0x18800, s4;
	s4 =	ssub.s32 $0x2, s4  }
0x9: {  	_ =	strace $0x80000047;
	s17 =	sshll.u32 s0, $0x6;
	s31 =	sshrl.u32 s4, $0x1  }
0xa: {  	s17 =	sor.u32 $0x1C02, s17;
	s5 =	sadd.s32 s7, s5;
	s28 =	sadd.s32 s8, s9  }
0xb: {  	s9 =	simm.s32 $0x3880;
	s5 =	sshrl.u32 s5, $0x3;
	s7 =	sshrl.u32 s28, $0x3  }
0xc: {  	s29 =	sadd.s32 s5, s6;
	s30 =	sadd.s32 s7, s6;
	s6 =	ssub.s32 s4, s31  }
0xd: {  	s4 =	sadd.s32 s8, s2;
	s5 =	sadd.s32 $0x12E400, s30;
	s6 =	smax.u32 s6, $0x1  }
0xe: {  	v0 =	vimm.f32 $0.0e+00;
	s7 =	sadd.s32 $0x66400, s29;
	s8 =	sadd.s32 $0x2400, s29;
	s18 =	sshrl.u32 s4, $0x3  }
.LBB2_1:
0xf: {  	s20 =	simm.s32 $0x40;
	s21 =	simm.s32 $0x0  }
.LBB2_2:
0x10: {  	p0 =	sne.s32 s20, $0x61C0;
	[tilespmem:s21+$0x3880] =	vst v0;
	s21 =	smov.u32 s20;
	s20 =	sadd.s32 $0x40, s20  }
.Ltmp0:
0x11: {  	(pc) =	sbr.rel @p0 .LBB2_2-.Ltmp0, $2  }
0x12: {  	_ =	sdelay $0x2  }
0x13: {  	s21 =	sshra.s32 s21, $0x2  }
0x14: {  	[tilespmem:s21+$0x3880] =	vst v0  }
0x15: {  	[spmem:s4] =	stream.linear.scatter [tilespmem:s9], [sflag:$0x2], $0x1880, $0x38;
	[tilespmem:$0x5100] =	vst v63  }
0x16: {  	_ =	swait.ge [sflag:s10], $0x1880  }
0x17: {  	[sflag:s10] =	ssyncset.done $0x0  }
0x18: {  	[sflag:s10] =	ssyncadd.s32 $0xFFFFE780  }
0x19: {  	s20 =	sadd.s32 $0x0, s7;
	[bflag:$0x0] =	sbarrier.arrive $0xFFFF  }
0x1a: {  	[tilespmem:s11], [sflag:$0x2] =	stream.linear.gather [hbm4b:s20+s3], $0x800, $0x38;
	[tilespmem:$0x5100] =	vst v63  }
0x1b: {  	_ =	swait.ge [sflag:s10], $0x800  }
0x1c: {  	[sflag:s10] =	ssyncset.done $0x0  }
0x1d: {  	s30 =	sadd.s32 $0x0, s8;
	[sflag:s10] =	ssyncadd.s32 $0xFFFFF800  }
0x1e: {  	[tilespmem:s12], [sflag:$0x2] =	stream.linear.gather [hbm4b:s30+s3], $0x800, $0x38;
	[tilespmem:$0x5100] =	vst v63  }
0x1f: {  	_ =	swait.ge [sflag:s10], $0x800  }
0x20: {  	[sflag:s10] =	ssyncset.done $0x0  }
0x21: {  	[sflag:s10] =	ssyncadd.s32 $0xFFFFF800  }
0x22: {  	[spmem:s2] =	stream.indirect.scatter.add.f32 [tilespmem:s12], [sflag:$0x1], $0x1, s11, s13, $0xb8;
	[tilespmem:$0x5100] =	vst v63  }
0x23: {  	s20 =	sadd.s32 $0x100, s20  }
0x24: {  	[tilespmem:s14], [sflag:$0x2] =	stream.linear.gather [hbm4b:s20+s3], $0x800, $0x38;
	[tilespmem:$0x5100] =	vst v63  }
0x25: {  	_ =	swait.ge [sflag:s10], $0x800  }
0x26: {  	[sflag:s10] =	ssyncset.done $0x0  }
0x27: {  	s31 =	sadd.s32 $0x100, s30;
	[sflag:s10] =	ssyncadd.s32 $0xFFFFF800  }
0x28: {  	[tilespmem:s15], [sflag:$0x2] =	stream.linear.gather [hbm4b:s31+s3], $0x800, $0x38;
	[tilespmem:$0x5100] =	vst v63  }
0x29: {  	_ =	swait.ge [sflag:s10], $0x800  }
0x2a: {  	[sflag:s10] =	ssyncset.done $0x0  }
0x2b: {  	[sflag:s10] =	ssyncadd.s32 $0xFFFFF800  }
0x2c: {  	[spmem:s2] =	stream.indirect.scatter.add.f32 [tilespmem:s15], [sflag:$0x1], $0x1, s14, s13, $0xb8;
	[tilespmem:$0x5100] =	vst v63  }
0x2d: {  	_ =	swait.ge [sflag:s16], $0x800  }
0x2e: {  	[sflag:s16] =	ssyncset.done $0x0  }
0x2f: {  	[sflag:s16] =	ssyncadd.s32 $0xFFFFF800  }
0x30: {  	_ =	swait.ge [sflag:s16], $0x800  }
0x31: {  	s21 =	simm.s32 $0x400;
	s20 =	simm.s32 $0x200;
	[sflag:s16] =	ssyncset.done $0x0  }
.LBB2_4:
0x32: {  	s22 =	sadd.s32 s20, s7  }
0x33: {  	[sflag:s16] =	ssyncadd.s32 $0xFFFFF800;
	s23 =	smov.u32 s21;
	s24 =	sadd.s32 $0x200, s21  }
0x34: {  	[tilespmem:s11], [sflag:$0x2] =	stream.linear.gather [hbm4b:s22+s3], $0x800, $0x38;
	[tilespmem:$0x5100] =	vst v63  }
0x35: {  	p0 =	sne.s32 s21, $0x3000;
	_ =	swait.ge [sflag:s10], $0x800  }
0x36: {  	[sflag:s10] =	ssyncset.done $0x0  }
0x37: {  	s21 =	sadd.s32 s20, s8;
	s20 =	smov.u32 s23;
	[sflag:s10] =	ssyncadd.s32 $0xFFFFF800  }
0x38: {  	[tilespmem:s12], [sflag:$0x2] =	stream.linear.gather [hbm4b:s21+s3], $0x800, $0x38;
	[tilespmem:$0x5100] =	vst v63  }
0x39: {  	_ =	swait.ge [sflag:s10], $0x800  }
0x3a: {  	[sflag:s10] =	ssyncset.done $0x0  }
0x3b: {  	[sflag:s10] =	ssyncadd.s32 $0xFFFFF800  }
0x3c: {  	[spmem:s2] =	stream.indirect.scatter.add.f32 [tilespmem:s12], [sflag:$0x1], $0x1, s11, s13, $0xb8;
	[tilespmem:$0x5100] =	vst v63  }
0x3d: {  	s22 =	sadd.s32 $0x100, s22  }
0x3e: {  	[tilespmem:s14], [sflag:$0x2] =	stream.linear.gather [hbm4b:s22+s3], $0x800, $0x38;
	[tilespmem:$0x5100] =	vst v63  }
0x3f: {  	_ =	swait.ge [sflag:s10], $0x800  }
0x40: {  	[sflag:s10] =	ssyncset.done $0x0  }
0x41: {  	s21 =	sadd.s32 $0x100, s21;
	[sflag:s10] =	ssyncadd.s32 $0xFFFFF800  }
0x42: {  	[tilespmem:s15], [sflag:$0x2] =	stream.linear.gather [hbm4b:s21+s3], $0x800, $0x38;
	[tilespmem:$0x5100] =	vst v63  }
0x43: {  	_ =	swait.ge [sflag:s10], $0x800  }
0x44: {  	[sflag:s10] =	ssyncset.done $0x0  }
0x45: {  	[sflag:s10] =	ssyncadd.s32 $0xFFFFF800  }
0x46: {  	[spmem:s2] =	stream.indirect.scatter.add.f32 [tilespmem:s15], [sflag:$0x1], $0x1, s14, s13, $0xb8;
	[tilespmem:$0x5100] =	vst v63  }
.Ltmp1:
0x47: {  	_ =	swait.ge [sflag:s16], $0x800;
	(pc) =	sbr.rel @p0 .LBB2_4-.Ltmp1, $4  }
0x48: {  	[sflag:s16] =	ssyncset.done $0x0  }
0x49: {  	[sflag:s16] =	ssyncadd.s32 $0xFFFFF800  }
0x4a: {  	_ =	swait.ge [sflag:s16], $0x800  }
0x4b: {  	s21 =	smov.u32 s24;
	[sflag:s16] =	ssyncset.done $0x0  }
0x4c: {  	s21 =	sadd.s32 s20, s7;
	[sflag:s16] =	ssyncadd.s32 $0xFFFFF800  }
0x4d: {  	[tilespmem:s11], [sflag:$0x2] =	stream.linear.gather [hbm4b:s21+s3], $0x800, $0x38;
	[tilespmem:$0x5100] =	vst v63  }
0x4e: {  	_ =	swait.ge [sflag:s10], $0x800  }
0x4f: {  	[sflag:s10] =	ssyncset.done $0x0  }
0x50: {  	s31 =	sadd.s32 s20, s8;
	[sflag:s10] =	ssyncadd.s32 $0xFFFFF800  }
0x51: {  	[tilespmem:s12], [sflag:$0x2] =	stream.linear.gather [hbm4b:s31+s3], $0x800, $0x38;
	[tilespmem:$0x5100] =	vst v63  }
0x52: {  	_ =	swait.ge [sflag:s10], $0x800  }
0x53: {  	[sflag:s10] =	ssyncset.done $0x0  }
0x54: {  	[sflag:s10] =	ssyncadd.s32 $0xFFFFF800  }
0x55: {  	[spmem:s2] =	stream.indirect.scatter.add.f32 [tilespmem:s12], [sflag:$0x1], $0x1, s11, s13, $0xb8;
	[tilespmem:$0x5100] =	vst v63  }
0x56: {  	s21 =	sadd.s32 $0x100, s21  }
0x57: {  	[tilespmem:s14], [sflag:$0x2] =	stream.linear.gather [hbm4b:s21+s3], $0x800, $0x38;
	[tilespmem:$0x5100] =	vst v63  }
0x58: {  	_ =	swait.ge [sflag:s10], $0x800  }
0x59: {  	[sflag:s10] =	ssyncset.done $0x0  }
0x5a: {  	s20 =	sadd.s32 $0x100, s31;
	[sflag:s10] =	ssyncadd.s32 $0xFFFFF800  }
0x5b: {  	[tilespmem:s15], [sflag:$0x2] =	stream.linear.gather [hbm4b:s20+s3], $0x800, $0x38;
	[tilespmem:$0x5100] =	vst v63  }
0x5c: {  	_ =	swait.ge [sflag:s10], $0x800  }
0x5d: {  	[sflag:s10] =	ssyncset.done $0x0  }
0x5e: {  	[sflag:s10] =	ssyncadd.s32 $0xFFFFF800  }
0x5f: {  	[spmem:s2] =	stream.indirect.scatter.add.f32 [tilespmem:s15], [sflag:$0x1], $0x1, s14, s13, $0xb8;
	[tilespmem:$0x5100] =	vst v63  }
0x60: {  	_ =	swait.ge [sflag:s16], $0x800  }
0x61: {  	[sflag:s16] =	ssyncset.done $0x0  }
0x62: {  	[sflag:s16] =	ssyncadd.s32 $0xFFFFF800  }
0x63: {  	_ =	swait.ge [sflag:s16], $0x800  }
0x64: {  	s19 =	sadd.s32 $0x1, s19;
	[sflag:s16] =	ssyncset.done $0x0  }
0x65: {  	p0 =	sne.s32 s19, s6;
	[sflag:s16] =	ssyncadd.s32 $0xFFFFF800  }
.Ltmp2:
0x66: {  	[bflag:$0x0] =	sbarrier.arrive $0xFFFF;
	(pc) =	sbr.rel @p0 .LBB2_1-.Ltmp2, $4  }
0x67: {  	[hbm:s5], [sflag:s17] =	dma.local [spmem:s18], $0x310  }
0x68: {  	_ =	swait.ge [sflag:s10], $0x310  }
0x69: {  	[sflag:s10] =	ssyncset.done $0x0  }
0x6a: {  	[sflag:s10] =	ssyncadd.s32 $0xFFFFFCF0  }
0x6b: {  	_ =	sfence.sel $0x180000  }
0x6c: {  	[bflag:$0x0] =	sbarrier.arrive $0xFFFF  }
0x6d: {  	p0 =	sne.s32 s0, $0x0;
	_ =	strace $0x90000047  }
0x6e: {  	s0 =	sadd.s32 @!p0 $0x100000, s1;
	[bflag:$0x2] =	sbarrier.arrive $0xFFFF  }
0x6f: {  	[sflag:s0] =	ssyncadd.tile.s32 @!p0 $0x1;
	_ =	shalt  }
.Lfunc_end2:
_tile_overlayer_lowered:
.L_overlay_start_2:
0x70: {  	(tag) =	ssettag $0x2  }
0x71: {  	s0 =	rddreg [dreg:$0x0];
	s2 =	stileid.u32  }
0x72: {  	s1 =	rddreg [dreg:$0x1];
	p0 =	sne.s32 s2, $0x0  }
0x73: {  	s3 =	rddreg [dreg:$0x2];
	[bflag:$0x3] =	sbarrier.arrive $0xFFFF;
	s2 =	simm.s32 @!p0 $0x1C02  }
0x74: {  	[timem:s3], [sflag:s2] =	dma.local @!p0 [hbm:s0], s1  }
0x75: {  	s0 =	simm.s32 @!p0 $0x2  }
0x76: {  	_ =	swait.ge @!p0 [sflag:s0], s1  }
0x77: {  	s1 =	ssub.s32 @!p0 $0x0, s1;
	[sflag:s0] =	ssyncset.done @!p0 $0x0  }
0x78: {  	[sflag:s0] =	ssyncadd.s32 @!p0 s1  }
0x79: {  	[bflag:$0x3] =	sbarrier.arrive $0xFFFF  }
0x7a: {  	_ =	shalt  }

</sc_bundles>
